<compile_context>
chip_gen: v7x
topology: tpu7x:2x2x1
jax: 0.10.2.dev20260603
libtpu: 0.0.44.dev20260713+nightly
codegen_flags: <defaults>
</compile_context>

<pallas_src>
import functools
import jax
import jax.numpy as jnp
from jax import lax
from jax.experimental import pallas as pl
from jax.experimental.pallas import tpu as pltpu
from jax.experimental.pallas import tpu_sc as plsc

D = 64
S = 200
NG = 13
CHUNK = 128
K = 8
PF = 5
RING = K * CHUNK
BIAS_PAD = 1000064


@jax.jit
def _run(sl3, embed, wtab, bias):
    B = embed.shape[0]
    info = plsc.get_sparse_core_info()
    NC, NS = info.num_cores, info.num_subcores
    NW = NC * NS
    spw = B // NW
    nstream = spw * S // CHUNK
    mesh = plsc.VectorSubcoreMesh(core_axis_name="c", subcore_axis_name="s")

    @functools.partial(
        pl.kernel,
        out_type=jax.ShapeDtypeStruct((2 * B, 128), jnp.float32),
        mesh=mesh,
        compiler_params=pltpu.CompilerParams(
            needs_layout_passes=False, use_tc_tiling_on_sc=False),
        scratch_types=[
            pltpu.VMEM((nstream, CHUNK), jnp.int32),
            pltpu.VMEM((spw, D), jnp.float32),
            pltpu.VMEM((RING, D), jnp.float32),
            pltpu.VMEM((RING,), jnp.float32),
            pltpu.VMEM((K, CHUNK), jnp.int32),
            pltpu.VMEM((8, 128), jnp.float32),
            pltpu.SemaphoreType.DMA,
            pltpu.SemaphoreType.DMA,
            pltpu.SemaphoreType.DMA,
        ],
    )
    def k(sl_hbm, embed_hbm, w_hbm, bias_hbm, out_hbm,
          idx_all, emb_all, rows_ring, bias_ring, idx2_ring, out_stage,
          sem_r, sem_b, sem_o):
        cid = lax.axis_index("c")
        sid = lax.axis_index("s")
        wid = sid * NC + cid
        base = wid * spw
        iota = lax.iota(jnp.int32, 16)
        zvec = jnp.zeros((16,), jnp.int32)

        pltpu.sync_copy(sl_hbm.at[pl.ds(wid * nstream, nstream)], idx_all)
        pltpu.sync_copy(embed_hbm.at[pl.ds(base, spw)], emb_all)

        def issue(j):
            slot = j % K
            src_row = idx_all.at[j]
            dst_row = idx2_ring.at[slot]
            for t in range(CHUNK // 16):
                dst_row[pl.ds(16 * t, 16)] = src_row[pl.ds(16 * t, 16)] * 2
            pltpu.make_async_copy(
                w_hbm.at[idx2_ring.at[slot]],
                rows_ring.at[pl.ds(slot * CHUNK, CHUNK)], sem_r).start()
            pltpu.make_async_copy(
                bias_hbm.at[idx_all.at[j]],
                bias_ring.at[pl.ds(slot * CHUNK, CHUNK)], sem_b).start()

        def wait_chunk():
            pltpu.make_async_copy(
                w_hbm.at[pl.ds(0, CHUNK)],
                rows_ring.at[pl.ds(0, CHUNK)], sem_r).wait()
            pltpu.make_async_copy(
                bias_hbm.at[pl.ds(0, CHUNK)],
                bias_ring.at[pl.ds(0, CHUNK)], sem_b).wait()

        def wait_out_group():
            pltpu.make_async_copy(
                out_stage, out_hbm.at[pl.ds(0, 8)], sem_o).wait()

        def prologue(j, carry):
            issue(j)
            return carry

        lax.fori_loop(0, PF, prologue, 0)

        def sample_body(i, carry):
            need_prev = (25 * i + 15) >> 4
            need_cur = (25 * i + 40) >> 4
            j1 = need_prev + PF
            j2 = j1 + 1
            jtgt = jnp.minimum(need_cur + PF, nstream)

            @pl.when(j1 < jtgt)
            def _():
                issue(j1)

            @pl.when(j2 < jtgt)
            def _():
                issue(j2)

            wait_chunk()

            @pl.when(need_cur - need_prev > 1)
            def _():
                wait_chunk()

            @pl.when((i % 4 == 0) & (i >= 4))
            def _():
                wait_out_group()

            buf = i % 4
            fvecs = [((200 * i + 16 * g) + iota) % RING for g in range(NG)]
            accs0 = tuple(
                plsc.load_gather(bias_ring, [fvecs[g]]) for g in range(NG))
            isplat = zvec + i

            def dbody(dp, accs):
                dcol = (dp + iota) & (D - 1)
                e0 = plsc.load_gather(emb_all, [isplat, dcol])
                return tuple(
                    a + plsc.load_gather(rows_ring, [fvecs[g], dcol]) * e0
                    for g, a in enumerate(accs))

            accs = lax.fori_loop(0, D, dbody, accs0)
            st0 = out_stage.at[2 * buf]
            st1 = out_stage.at[2 * buf + 1]
            for g in range(NG):
                if g < 8:
                    st0[pl.ds(16 * g, 16)] = accs[g]
                else:
                    st1[pl.ds(16 * (g - 8), 16)] = accs[g]
            @pl.when(i % 4 == 3)
            def _():
                pltpu.make_async_copy(
                    out_stage,
                    out_hbm.at[pl.ds(2 * (base + i - 3), 8)], sem_o).start()
            return carry

        lax.fori_loop(0, spw, sample_body, 0)

        wait_out_group()

    return k(sl3, embed, wtab, bias)


def kernel(embed, shortlist, W, b):
    B = embed.shape[0]
    rows = W.shape[0]
    sl3 = shortlist.astype(jnp.int32).reshape(B * S // CHUNK, CHUNK)
    wtab = jnp.pad(W, ((0, 7), (0, 64))).reshape(2 * (rows + 7), D)
    bias = jnp.pad(b.reshape(-1), (0, BIAS_PAD - rows))
    out2 = _run(sl3, embed, wtab, bias)
    return out2.reshape(B, 256)[:, :S]

# --- scband reference (transcript-rebuilt; emitter-appended) ---
"""Pipeline reference for scband-sparse-linear-51505247813854 (READ-ONLY COPY).

The authoritative reference and input builder live on the scoring server;
editing this copy changes nothing except your own understanding.
"""

import jax, jax.numpy as jnp
import numpy as np

INPUT_SIZE = 64
OUTPUT_SIZE = 1000000
ROWS = OUTPUT_SIZE + 1  # padding row appended at index OUTPUT_SIZE
BATCH = 4096
SHORT = 200


def setup_inputs(seed: int = 0) -> dict:
    key = jax.random.key(seed)
    k1, k2, k3, k4 = jax.random.split(key, 4)
    embed = jax.random.normal(k1, (BATCH, INPUT_SIZE), dtype=jnp.float32)
    shortlist = jax.random.randint(k2, (BATCH, SHORT), 0, OUTPUT_SIZE, dtype=jnp.int64)
    # parameters (kaiming-uniform-ish init; padding row zeroed)
    bound_w = float(np.sqrt(6.0 / INPUT_SIZE))
    W = jax.random.uniform(k3, (ROWS, INPUT_SIZE), dtype=jnp.float32, minval=-bound_w, maxval=bound_w)
    bound_b = 1.0 / float(np.sqrt(INPUT_SIZE))
    b = jax.random.uniform(k4, (ROWS, 1), dtype=jnp.float32, minval=-bound_b, maxval=bound_b)
    W = W.at[OUTPUT_SIZE].set(0.0)
    b = b.at[OUTPUT_SIZE].set(0.0)
    return {"embed": embed, "shortlist": shortlist, "W": W, "b": b}


def reference(embed, shortlist, W, b):
    # short_weights = F.embedding(shortlist, W)  -> [B, S, d]
    short_weights = jnp.take(W, shortlist, axis=0)
    # out = matmul(embed.unsqueeze(1), short_weights.permute(0,2,1)) -> [B, 1, S]
    out = jnp.einsum('bd,bsd->bs', embed, short_weights)
    # short_bias = F.embedding(shortlist, b) -> [B, S, 1]; permuted to [B,1,S] then added
    short_bias = jnp.take(b, shortlist, axis=0)[..., 0]
    out = out + short_bias
    # .squeeze() on [B,1,S] -> [B, S]
    return out

if __name__ == "__main__":
    import jax
    _d = setup_inputs()
    print(jax.jit(kernel)(*tuple(_d.values())))

</pallas_src>

<mosaic_0001>
#map = affine_map<(d0, d1) -> (0, 0)>
#map1 = affine_map<(d0, d1) -> (0)>
module attributes {stable_mosaic.version = 14 : i64} {
  func.func @k(%arg0: i32, %arg1: i32, %arg2: memref<6400x128xi32, #tpu.memory_space<hbm>>, %arg3: memref<4096x64xf32, #tpu.memory_space<hbm>>, %arg4: memref<2000016x64xf32, #tpu.memory_space<hbm>>, %arg5: memref<1000064xf32, #tpu.memory_space<hbm>>, %arg6: memref<8192x128xf32, #tpu.memory_space<hbm>>, %arg7: memref<200x128xi32, #tpu.memory_space<vmem>>, %arg8: memref<128x64xf32, #tpu.memory_space<vmem>>, %arg9: memref<1024x64xf32, #tpu.memory_space<vmem>>, %arg10: memref<1024xf32, #tpu.memory_space<vmem>>, %arg11: memref<8x128xi32, #tpu.memory_space<vmem>>, %arg12: memref<8x128xf32, #tpu.memory_space<vmem>>, %arg13: memref<!tpu.dma_semaphore, #tpu.memory_space<semaphore_mem>>, %arg14: memref<!tpu.dma_semaphore, #tpu.memory_space<semaphore_mem>>, %arg15: memref<!tpu.dma_semaphore, #tpu.memory_space<semaphore_mem>>) attributes {dimension_semantics = [#tpu.dimension_semantics<core_parallel>, #tpu.dimension_semantics<subcore_parallel>], iteration_bounds = array<i64: 2, 16>, scalar_prefetch = 0 : i64, scratch_operands = 9 : i64, tpu.core_type = #tpu.core_type<sc_vector_subcore>, window_params = [{transform_indices = #map}, {transform_indices = #map}, {transform_indices = #map}, {transform_indices = #map1}, {transform_indices = #map}]} {
    %mul3A = arith.constant 2 : i32
    %mul3A_0 = arith.muli %arg1, %mul3A : i32
    %add3A = arith.addi %mul3A_0, %arg0 : i32
    %mul3A_1 = arith.constant 128 : i32
    %mul3A_2 = arith.muli %add3A, %mul3A_1 : i32
    %iota3A = tpu.iota {dimensions = array<i32: 0>} : vector<16xi32>
    %broadcast_in_dim3A = arith.constant 0 : i32
    %broadcast_in_dim3A_3 = vector.broadcast %broadcast_in_dim3A : i32 to vector<16xi32>
    %mul3A_4 = arith.constant 200 : i32
    %mul3A_5 = arith.muli %add3A, %mul3A_4 : i32
    "tpu.region"() ({
      %run_scoped3A = tpu.sem_alloc : memref<!tpu.dma_semaphore, #tpu.memory_space<semaphore_mem>>
      %dma_start3A = arith.constant 0 : i32
      %dma_start3A_22 = tpu.memref_slice %arg2[%mul3A_5, %dma_start3A] : memref<6400x128xi32, #tpu.memory_space<hbm>> -> memref<200x128xi32, #tpu.memory_space<hbm>>
      %dma_start3A_23 = arith.constant 0 : i32
      %dma_start3A_24 = tpu.memref_slice %arg2[%mul3A_5, %dma_start3A_23] : memref<6400x128xi32, #tpu.memory_space<hbm>> -> memref<200x128xi32, #tpu.memory_space<hbm>>
      tpu.enqueue_dma source(%dma_start3A_24 : memref<200x128xi32, #tpu.memory_space<hbm>>) target(%arg7 : memref<200x128xi32, #tpu.memory_space<vmem>>) target_semaphore(%run_scoped3A : memref<!tpu.dma_semaphore, #tpu.memory_space<semaphore_mem>>)
      %dma_wait3A_25 = arith.constant 0 : i32
      %dma_wait3A_26 = tpu.memref_slice %arg2[%mul3A_5, %dma_wait3A_25] : memref<6400x128xi32, #tpu.memory_space<hbm>> -> memref<200x128xi32, #tpu.memory_space<hbm>>
      %dma_wait3A_27 = arith.constant 0 : i32
      %dma_wait3A_28 = tpu.memref_slice %arg2[%mul3A_5, %dma_wait3A_27] : memref<6400x128xi32, #tpu.memory_space<hbm>> -> memref<200x128xi32, #tpu.memory_space<hbm>>
      tpu.wait_dma2 semaphore(%run_scoped3A : memref<!tpu.dma_semaphore, #tpu.memory_space<semaphore_mem>>) src(%dma_wait3A_28 : memref<200x128xi32, #tpu.memory_space<hbm>>) dst(%arg7 : memref<200x128xi32, #tpu.memory_space<vmem>>)
      tpu.yield
    }) : () -> ()
    "tpu.region"() ({
      %run_scoped3A = tpu.sem_alloc : memref<!tpu.dma_semaphore, #tpu.memory_space<semaphore_mem>>
      %dma_start3A = arith.constant 0 : i32
      %dma_start3A_22 = tpu.memref_slice %arg3[%mul3A_2, %dma_start3A] : memref<4096x64xf32, #tpu.memory_space<hbm>> -> memref<128x64xf32, #tpu.memory_space<hbm>>
      %dma_start3A_23 = arith.constant 0 : i32
      %dma_start3A_24 = tpu.memref_slice %arg3[%mul3A_2, %dma_start3A_23] : memref<4096x64xf32, #tpu.memory_space<hbm>> -> memref<128x64xf32, #tpu.memory_space<hbm>>
      tpu.enqueue_dma source(%dma_start3A_24 : memref<128x64xf32, #tpu.memory_space<hbm>>) target(%arg8 : memref<128x64xf32, #tpu.memory_space<vmem>>) target_semaphore(%run_scoped3A : memref<!tpu.dma_semaphore, #tpu.memory_space<semaphore_mem>>)
      %dma_wait3A_25 = arith.constant 0 : i32
      %dma_wait3A_26 = tpu.memref_slice %arg3[%mul3A_2, %dma_wait3A_25] : memref<4096x64xf32, #tpu.memory_space<hbm>> -> memref<128x64xf32, #tpu.memory_space<hbm>>
      %dma_wait3A_27 = arith.constant 0 : i32
      %dma_wait3A_28 = tpu.memref_slice %arg3[%mul3A_2, %dma_wait3A_27] : memref<4096x64xf32, #tpu.memory_space<hbm>> -> memref<128x64xf32, #tpu.memory_space<hbm>>
      tpu.wait_dma2 semaphore(%run_scoped3A : memref<!tpu.dma_semaphore, #tpu.memory_space<semaphore_mem>>) src(%dma_wait3A_28 : memref<128x64xf32, #tpu.memory_space<hbm>>) dst(%arg8 : memref<128x64xf32, #tpu.memory_space<vmem>>)
      tpu.yield
    }) : () -> ()
    %scan3A = arith.constant 0 : i32
    %scan3A_6 = arith.constant 0 : i32
    %scan3A_7 = arith.constant 5 : i32
    %scan3A_8 = arith.addi %scan3A_6, %scan3A_7 : i32
    %scan3A_9 = arith.constant 1 : i32
    scf.for %scan3A_22 = %scan3A_6 to %scan3A_8 step %scan3A_9  : i32 {
      %jit3A = arith.constant 8 : i32
      %eq3A = arith.constant 0 : i32
      %eq3A_23 = arith.cmpi eq, %jit3A, %eq3A : i32
      %jit3A_24 = arith.constant 1 : i32
      %select_n3A = arith.select %eq3A_23, %jit3A_24, %jit3A : i32
      %rem3A = arith.remsi %scan3A_22, %select_n3A : i32
      %ne3A = arith.constant 0 : i32
      %ne3A_25 = arith.cmpi ne, %rem3A, %ne3A : i32
      %lt3A = arith.constant 0 : i32
      %lt3A_26 = arith.cmpi slt, %rem3A, %lt3A : i32
      %lt3A_27 = arith.constant 0 : i32
      %lt3A_28 = arith.cmpi slt, %select_n3A, %lt3A_27 : i32
      %ne3A_29 = arith.xori %lt3A_26, %lt3A_28 : i1
      %and3A = arith.andi %ne3A_29, %ne3A_25 : i1
      %add3A_30 = arith.addi %rem3A, %select_n3A : i32
      %select_n3A_31 = arith.select %and3A, %add3A_30, %rem3A : i32
      %get3A = arith.constant 0 : i32
      %get3A_32 = tpu.memref_slice %arg7[%scan3A_22, %get3A] : memref<200x128xi32, #tpu.memory_space<vmem>> -> memref<1x128xi32, #tpu.memory_space<vmem>>
      %get3A_33 = tpu.memref_squeeze %get3A_32 : memref<1x128xi32, #tpu.memory_space<vmem>> -> memref<128xi32, #tpu.memory_space<vmem>>
      %get3A_34 = arith.constant 0 : index
      %get3A_35 = tpu.vector_load %get3A_33[%get3A_34] {strides = array<i32>} : memref<128xi32, #tpu.memory_space<vmem>>, vector<16xi32>,
      %mul3A_36 = arith.constant 2 : i32
      %mul3A_37 = vector.broadcast %mul3A_36 : i32 to vector<16xi32>
      %mul3A_38 = arith.muli %get3A_35, %mul3A_37 : vector<16xi32>
      %swap3A = arith.constant 0 : i32
      %swap3A_39 = tpu.memref_slice %arg11[%select_n3A_31, %swap3A] : memref<8x128xi32, #tpu.memory_space<vmem>> -> memref<1x128xi32, #tpu.memory_space<vmem>>
      %swap3A_40 = tpu.memref_squeeze %swap3A_39 : memref<1x128xi32, #tpu.memory_space<vmem>> -> memref<128xi32, #tpu.memory_space<vmem>>
      %swap3A_41 = arith.constant 0 : index
      %swap3A_42 = tpu.vector_load %swap3A_40[%swap3A_41] {strides = array<i32>} : memref<128xi32, #tpu.memory_space<vmem>>, vector<16xi32>,
      tpu.vector_store %swap3A_40[%swap3A_41], %mul3A_38 {strides = array<i32>} : memref<128xi32, #tpu.memory_space<vmem>>, vector<16xi32>,
      %get3A_43 = arith.constant 0 : i32
      %get3A_44 = tpu.memref_slice %arg7[%scan3A_22, %get3A_43] : memref<200x128xi32, #tpu.memory_space<vmem>> -> memref<1x128xi32, #tpu.memory_space<vmem>>
      %get3A_45 = tpu.memref_squeeze %get3A_44 : memref<1x128xi32, #tpu.memory_space<vmem>> -> memref<128xi32, #tpu.memory_space<vmem>>
      %get3A_46 = arith.constant 16 : index
      %get3A_47 = tpu.vector_load %get3A_45[%get3A_46] {strides = array<i32>} : memref<128xi32, #tpu.memory_space<vmem>>, vector<16xi32>,
      %mul3A_48 = arith.constant 2 : i32
      %mul3A_49 = vector.broadcast %mul3A_48 : i32 to vector<16xi32>
      %mul3A_50 = arith.muli %get3A_47, %mul3A_49 : vector<16xi32>
      %swap3A_51 = arith.constant 0 : i32
      %swap3A_52 = tpu.memref_slice %arg11[%select_n3A_31, %swap3A_51] : memref<8x128xi32, #tpu.memory_space<vmem>> -> memref<1x128xi32, #tpu.memory_space<vmem>>
      %swap3A_53 = tpu.memref_squeeze %swap3A_52 : memref<1x128xi32, #tpu.memory_space<vmem>> -> memref<128xi32, #tpu.memory_space<vmem>>
      %swap3A_54 = arith.constant 16 : index
      %swap3A_55 = tpu.vector_load %swap3A_53[%swap3A_54] {strides = array<i32>} : memref<128xi32, #tpu.memory_space<vmem>>, vector<16xi32>,
      tpu.vector_store %swap3A_53[%swap3A_54], %mul3A_50 {strides = array<i32>} : memref<128xi32, #tpu.memory_space<vmem>>, vector<16xi32>,
      %get3A_56 = arith.constant 0 : i32
      %get3A_57 = tpu.memref_slice %arg7[%scan3A_22, %get3A_56] : memref<200x128xi32, #tpu.memory_space<vmem>> -> memref<1x128xi32, #tpu.memory_space<vmem>>
      %get3A_58 = tpu.memref_squeeze %get3A_57 : memref<1x128xi32, #tpu.memory_space<vmem>> -> memref<128xi32, #tpu.memory_space<vmem>>
      %get3A_59 = arith.constant 32 : index
      %get3A_60 = tpu.vector_load %get3A_58[%get3A_59] {strides = array<i32>} : memref<128xi32, #tpu.memory_space<vmem>>, vector<16xi32>,
      %mul3A_61 = arith.constant 2 : i32
      %mul3A_62 = vector.broadcast %mul3A_61 : i32 to vector<16xi32>
      %mul3A_63 = arith.muli %get3A_60, %mul3A_62 : vector<16xi32>
      %swap3A_64 = arith.constant 0 : i32
      %swap3A_65 = tpu.memref_slice %arg11[%select_n3A_31, %swap3A_64] : memref<8x128xi32, #tpu.memory_space<vmem>> -> memref<1x128xi32, #tpu.memory_space<vmem>>
      %swap3A_66 = tpu.memref_squeeze %swap3A_65 : memref<1x128xi32, #tpu.memory_space<vmem>> -> memref<128xi32, #tpu.memory_space<vmem>>
      %swap3A_67 = arith.constant 32 : index
      %swap3A_68 = tpu.vector_load %swap3A_66[%swap3A_67] {strides = array<i32>} : memref<128xi32, #tpu.memory_space<vmem>>, vector<16xi32>,
      tpu.vector_store %swap3A_66[%swap3A_67], %mul3A_63 {strides = array<i32>} : memref<128xi32, #tpu.memory_space<vmem>>, vector<16xi32>,
      %get3A_69 = arith.constant 0 : i32
      %get3A_70 = tpu.memref_slice %arg7[%scan3A_22, %get3A_69] : memref<200x128xi32, #tpu.memory_space<vmem>> -> memref<1x128xi32, #tpu.memory_space<vmem>>
      %get3A_71 = tpu.memref_squeeze %get3A_70 : memref<1x128xi32, #tpu.memory_space<vmem>> -> memref<128xi32, #tpu.memory_space<vmem>>
      %get3A_72 = arith.constant 48 : index
      %get3A_73 = tpu.vector_load %get3A_71[%get3A_72] {strides = array<i32>} : memref<128xi32, #tpu.memory_space<vmem>>, vector<16xi32>,
      %mul3A_74 = arith.constant 2 : i32
      %mul3A_75 = vector.broadcast %mul3A_74 : i32 to vector<16xi32>
      %mul3A_76 = arith.muli %get3A_73, %mul3A_75 : vector<16xi32>
      %swap3A_77 = arith.constant 0 : i32
      %swap3A_78 = tpu.memref_slice %arg11[%select_n3A_31, %swap3A_77] : memref<8x128xi32, #tpu.memory_space<vmem>> -> memref<1x128xi32, #tpu.memory_space<vmem>>
      %swap3A_79 = tpu.memref_squeeze %swap3A_78 : memref<1x128xi32, #tpu.memory_space<vmem>> -> memref<128xi32, #tpu.memory_space<vmem>>
      %swap3A_80 = arith.constant 48 : index
      %swap3A_81 = tpu.vector_load %swap3A_79[%swap3A_80] {strides = array<i32>} : memref<128xi32, #tpu.memory_space<vmem>>, vector<16xi32>,
      tpu.vector_store %swap3A_79[%swap3A_80], %mul3A_76 {strides = array<i32>} : memref<128xi32, #tpu.memory_space<vmem>>, vector<16xi32>,
      %get3A_82 = arith.constant 0 : i32
      %get3A_83 = tpu.memref_slice %arg7[%scan3A_22, %get3A_82] : memref<200x128xi32, #tpu.memory_space<vmem>> -> memref<1x128xi32, #tpu.memory_space<vmem>>
      %get3A_84 = tpu.memref_squeeze %get3A_83 : memref<1x128xi32, #tpu.memory_space<vmem>> -> memref<128xi32, #tpu.memory_space<vmem>>
      %get3A_85 = arith.constant 64 : index
      %get3A_86 = tpu.vector_load %get3A_84[%get3A_85] {strides = array<i32>} : memref<128xi32, #tpu.memory_space<vmem>>, vector<16xi32>,
      %mul3A_87 = arith.constant 2 : i32
      %mul3A_88 = vector.broadcast %mul3A_87 : i32 to vector<16xi32>
      %mul3A_89 = arith.muli %get3A_86, %mul3A_88 : vector<16xi32>
      %swap3A_90 = arith.constant 0 : i32
      %swap3A_91 = tpu.memref_slice %arg11[%select_n3A_31, %swap3A_90] : memref<8x128xi32, #tpu.memory_space<vmem>> -> memref<1x128xi32, #tpu.memory_space<vmem>>
      %swap3A_92 = tpu.memref_squeeze %swap3A_91 : memref<1x128xi32, #tpu.memory_space<vmem>> -> memref<128xi32, #tpu.memory_space<vmem>>
      %swap3A_93 = arith.constant 64 : index
      %swap3A_94 = tpu.vector_load %swap3A_92[%swap3A_93] {strides = array<i32>} : memref<128xi32, #tpu.memory_space<vmem>>, vector<16xi32>,
      tpu.vector_store %swap3A_92[%swap3A_93], %mul3A_89 {strides = array<i32>} : memref<128xi32, #tpu.memory_space<vmem>>, vector<16xi32>,
      %get3A_95 = arith.constant 0 : i32
      %get3A_96 = tpu.memref_slice %arg7[%scan3A_22, %get3A_95] : memref<200x128xi32, #tpu.memory_space<vmem>> -> memref<1x128xi32, #tpu.memory_space<vmem>>
      %get3A_97 = tpu.memref_squeeze %get3A_96 : memref<1x128xi32, #tpu.memory_space<vmem>> -> memref<128xi32, #tpu.memory_space<vmem>>
      %get3A_98 = arith.constant 80 : index
      %get3A_99 = tpu.vector_load %get3A_97[%get3A_98] {strides = array<i32>} : memref<128xi32, #tpu.memory_space<vmem>>, vector<16xi32>,
      %mul3A_100 = arith.constant 2 : i32
      %mul3A_101 = vector.broadcast %mul3A_100 : i32 to vector<16xi32>
      %mul3A_102 = arith.muli %get3A_99, %mul3A_101 : vector<16xi32>
      %swap3A_103 = arith.constant 0 : i32
      %swap3A_104 = tpu.memref_slice %arg11[%select_n3A_31, %swap3A_103] : memref<8x128xi32, #tpu.memory_space<vmem>> -> memref<1x128xi32, #tpu.memory_space<vmem>>
      %swap3A_105 = tpu.memref_squeeze %swap3A_104 : memref<1x128xi32, #tpu.memory_space<vmem>> -> memref<128xi32, #tpu.memory_space<vmem>>
      %swap3A_106 = arith.constant 80 : index
      %swap3A_107 = tpu.vector_load %swap3A_105[%swap3A_106] {strides = array<i32>} : memref<128xi32, #tpu.memory_space<vmem>>, vector<16xi32>,
      tpu.vector_store %swap3A_105[%swap3A_106], %mul3A_102 {strides = array<i32>} : memref<128xi32, #tpu.memory_space<vmem>>, vector<16xi32>,
      %get3A_108 = arith.constant 0 : i32
      %get3A_109 = tpu.memref_slice %arg7[%scan3A_22, %get3A_108] : memref<200x128xi32, #tpu.memory_space<vmem>> -> memref<1x128xi32, #tpu.memory_space<vmem>>
      %get3A_110 = tpu.memref_squeeze %get3A_109 : memref<1x128xi32, #tpu.memory_space<vmem>> -> memref<128xi32, #tpu.memory_space<vmem>>
      %get3A_111 = arith.constant 96 : index
      %get3A_112 = tpu.vector_load %get3A_110[%get3A_111] {strides = array<i32>} : memref<128xi32, #tpu.memory_space<vmem>>, vector<16xi32>,
      %mul3A_113 = arith.constant 2 : i32
      %mul3A_114 = vector.broadcast %mul3A_113 : i32 to vector<16xi32>
      %mul3A_115 = arith.muli %get3A_112, %mul3A_114 : vector<16xi32>
      %swap3A_116 = arith.constant 0 : i32
      %swap3A_117 = tpu.memref_slice %arg11[%select_n3A_31, %swap3A_116] : memref<8x128xi32, #tpu.memory_space<vmem>> -> memref<1x128xi32, #tpu.memory_space<vmem>>
      %swap3A_118 = tpu.memref_squeeze %swap3A_117 : memref<1x128xi32, #tpu.memory_space<vmem>> -> memref<128xi32, #tpu.memory_space<vmem>>
      %swap3A_119 = arith.constant 96 : index
      %swap3A_120 = tpu.vector_load %swap3A_118[%swap3A_119] {strides = array<i32>} : memref<128xi32, #tpu.memory_space<vmem>>, vector<16xi32>,
      tpu.vector_store %swap3A_118[%swap3A_119], %mul3A_115 {strides = array<i32>} : memref<128xi32, #tpu.memory_space<vmem>>, vector<16xi32>,
      %get3A_121 = arith.constant 0 : i32
      %get3A_122 = tpu.memref_slice %arg7[%scan3A_22, %get3A_121] : memref<200x128xi32, #tpu.memory_space<vmem>> -> memref<1x128xi32, #tpu.memory_space<vmem>>
      %get3A_123 = tpu.memref_squeeze %get3A_122 : memref<1x128xi32, #tpu.memory_space<vmem>> -> memref<128xi32, #tpu.memory_space<vmem>>
      %get3A_124 = arith.constant 112 : index
      %get3A_125 = tpu.vector_load %get3A_123[%get3A_124] {strides = array<i32>} : memref<128xi32, #tpu.memory_space<vmem>>, vector<16xi32>,
      %mul3A_126 = arith.constant 2 : i32
      %mul3A_127 = vector.broadcast %mul3A_126 : i32 to vector<16xi32>
      %mul3A_128 = arith.muli %get3A_125, %mul3A_127 : vector<16xi32>
      %swap3A_129 = arith.constant 0 : i32
      %swap3A_130 = tpu.memref_slice %arg11[%select_n3A_31, %swap3A_129] : memref<8x128xi32, #tpu.memory_space<vmem>> -> memref<1x128xi32, #tpu.memory_space<vmem>>
      %swap3A_131 = tpu.memref_squeeze %swap3A_130 : memref<1x128xi32, #tpu.memory_space<vmem>> -> memref<128xi32, #tpu.memory_space<vmem>>
      %swap3A_132 = arith.constant 112 : index
      %swap3A_133 = tpu.vector_load %swap3A_131[%swap3A_132] {strides = array<i32>} : memref<128xi32, #tpu.memory_space<vmem>>, vector<16xi32>,
      tpu.vector_store %swap3A_131[%swap3A_132], %mul3A_128 {strides = array<i32>} : memref<128xi32, #tpu.memory_space<vmem>>, vector<16xi32>,
      %mul3A_134 = arith.constant 128 : i32
      %mul3A_135 = arith.muli %select_n3A_31, %mul3A_134 : i32
      %dma_start3A = arith.constant 0 : i32
      %dma_start3A_136 = tpu.memref_slice %arg9[%mul3A_135, %dma_start3A] : memref<1024x64xf32, #tpu.memory_space<vmem>> -> memref<128x64xf32, #tpu.memory_space<vmem>>
      %dma_start3A_137 = arith.constant 0 : i32
      %dma_start3A_138 = tpu.memref_slice %arg11[%select_n3A_31, %dma_start3A_137] : memref<8x128xi32, #tpu.memory_space<vmem>> -> memref<1x128xi32, #tpu.memory_space<vmem>>
      %dma_start3A_139 = tpu.memref_squeeze %dma_start3A_138 : memref<1x128xi32, #tpu.memory_space<vmem>> -> memref<128xi32, #tpu.memory_space<vmem>>
      %dma_start3A_140 = arith.constant 0 : i32
      %dma_start3A_141 = arith.constant 0 : i32
      %dma_start3A_142 = tpu.memref_slice %arg4[%dma_start3A_140, %dma_start3A_141] : memref<2000016x64xf32, #tpu.memory_space<hbm>> -> memref<2000016x64xf32, #tpu.memory_space<hbm>>
      tpu.enqueue_indirect_dma source(%dma_start3A_142 : memref<2000016x64xf32, #tpu.memory_space<hbm>>) target(%dma_start3A_136 : memref<128x64xf32, #tpu.memory_space<vmem>>) offsets(%dma_start3A_139 : memref<128xi32, #tpu.memory_space<vmem>>) semaphore(%arg13 : memref<!tpu.dma_semaphore, #tpu.memory_space<semaphore_mem>>)
      %mul3A_143 = arith.constant 128 : i32
      %mul3A_144 = arith.muli %select_n3A_31, %mul3A_143 : i32
      %dma_start3A_145 = tpu.memref_slice %arg10[%mul3A_144] : memref<1024xf32, #tpu.memory_space<vmem>> -> memref<128xf32, #tpu.memory_space<vmem>>
      %dma_start3A_146 = arith.constant 0 : i32
      %dma_start3A_147 = tpu.memref_slice %arg7[%scan3A_22, %dma_start3A_146] : memref<200x128xi32, #tpu.memory_space<vmem>> -> memref<1x128xi32, #tpu.memory_space<vmem>>
      %dma_start3A_148 = tpu.memref_squeeze %dma_start3A_147 : memref<1x128xi32, #tpu.memory_space<vmem>> -> memref<128xi32, #tpu.memory_space<vmem>>
      %dma_start3A_149 = arith.constant 0 : i32
      %dma_start3A_150 = tpu.memref_slice %arg5[%dma_start3A_149] : memref<1000064xf32, #tpu.memory_space<hbm>> -> memref<1000064xf32, #tpu.memory_space<hbm>>
      tpu.enqueue_indirect_dma source(%dma_start3A_150 : memref<1000064xf32, #tpu.memory_space<hbm>>) target(%dma_start3A_145 : memref<128xf32, #tpu.memory_space<vmem>>) offsets(%dma_start3A_148 : memref<128xi32, #tpu.memory_space<vmem>>) semaphore(%arg14 : memref<!tpu.dma_semaphore, #tpu.memory_space<semaphore_mem>>)
    }
    %scan3A_10 = arith.constant 5 : i32
    %scan3A_11 = arith.constant 0 : i32
    %scan3A_12 = arith.constant 0 : i32
    %scan3A_13 = arith.constant 128 : i32
    %scan3A_14 = arith.addi %scan3A_12, %scan3A_13 : i32
    %scan3A_15 = arith.constant 1 : i32
    scf.for %scan3A_22 = %scan3A_12 to %scan3A_14 step %scan3A_15  : i32 {
      %mul3A_23 = arith.constant 25 : i32
      %mul3A_24 = arith.muli %mul3A_23, %scan3A_22 : i32
      %add3A_25 = arith.constant 15 : i32
      %add3A_26 = arith.addi %mul3A_24, %add3A_25 : i32
      %shift_right_arithmetic3A = arith.constant 4 : i32
      %shift_right_arithmetic3A_27 = arith.shrsi %add3A_26, %shift_right_arithmetic3A : i32
      %mul3A_28 = arith.constant 25 : i32
      %mul3A_29 = arith.muli %mul3A_28, %scan3A_22 : i32
      %add3A_30 = arith.constant 40 : i32
      %add3A_31 = arith.addi %mul3A_29, %add3A_30 : i32
      %shift_right_arithmetic3A_32 = arith.constant 4 : i32
      %shift_right_arithmetic3A_33 = arith.shrsi %add3A_31, %shift_right_arithmetic3A_32 : i32
      %add3A_34 = arith.constant 5 : i32
      %add3A_35 = arith.addi %shift_right_arithmetic3A_27, %add3A_34 : i32
      %add3A_36 = arith.constant 1 : i32
      %add3A_37 = arith.addi %add3A_35, %add3A_36 : i32
      %add3A_38 = arith.constant 5 : i32
      %add3A_39 = arith.addi %shift_right_arithmetic3A_33, %add3A_38 : i32
      %min3A = arith.constant 200 : i32
      %min3A_40 = arith.minsi %add3A_39, %min3A : i32
      %lt3A = arith.cmpi slt, %add3A_35, %min3A_40 : i32
      %convert_element_type3A = arith.extui %lt3A : i1 to i32
      %cond3A = arith.constant 0 : i32
      %cond3A_41 = arith.cmpi ne, %convert_element_type3A, %cond3A : i32
      scf.if %cond3A_41 {
        %jit3A_578 = arith.constant 8 : i32
        %eq3A_579 = arith.constant 0 : i32
        %eq3A_580 = arith.cmpi eq, %jit3A_578, %eq3A_579 : i32
        %jit3A_581 = arith.constant 1 : i32
        %select_n3A_582 = arith.select %eq3A_580, %jit3A_581, %jit3A_578 : i32
        %rem3A_583 = arith.remsi %add3A_35, %select_n3A_582 : i32
        %ne3A_584 = arith.constant 0 : i32
        %ne3A_585 = arith.cmpi ne, %rem3A_583, %ne3A_584 : i32
        %lt3A_586 = arith.constant 0 : i32
        %lt3A_587 = arith.cmpi slt, %rem3A_583, %lt3A_586 : i32
        %lt3A_588 = arith.constant 0 : i32
        %lt3A_589 = arith.cmpi slt, %select_n3A_582, %lt3A_588 : i32
        %ne3A_590 = arith.xori %lt3A_587, %lt3A_589 : i1
        %and3A_591 = arith.andi %ne3A_590, %ne3A_585 : i1
        %add3A_592 = arith.addi %rem3A_583, %select_n3A_582 : i32
        %select_n3A_593 = arith.select %and3A_591, %add3A_592, %rem3A_583 : i32
        %get3A = arith.constant 0 : i32
        %get3A_594 = tpu.memref_slice %arg7[%add3A_35, %get3A] : memref<200x128xi32, #tpu.memory_space<vmem>> -> memref<1x128xi32, #tpu.memory_space<vmem>>
        %get3A_595 = tpu.memref_squeeze %get3A_594 : memref<1x128xi32, #tpu.memory_space<vmem>> -> memref<128xi32, #tpu.memory_space<vmem>>
        %get3A_596 = arith.constant 0 : index
        %get3A_597 = tpu.vector_load %get3A_595[%get3A_596] {strides = array<i32>} : memref<128xi32, #tpu.memory_space<vmem>>, vector<16xi32>,
        %mul3A_598 = arith.constant 2 : i32
        %mul3A_599 = vector.broadcast %mul3A_598 : i32 to vector<16xi32>
        %mul3A_600 = arith.muli %get3A_597, %mul3A_599 : vector<16xi32>
        %swap3A_601 = arith.constant 0 : i32
        %swap3A_602 = tpu.memref_slice %arg11[%select_n3A_593, %swap3A_601] : memref<8x128xi32, #tpu.memory_space<vmem>> -> memref<1x128xi32, #tpu.memory_space<vmem>>
        %swap3A_603 = tpu.memref_squeeze %swap3A_602 : memref<1x128xi32, #tpu.memory_space<vmem>> -> memref<128xi32, #tpu.memory_space<vmem>>
        %swap3A_604 = arith.constant 0 : index
        %swap3A_605 = tpu.vector_load %swap3A_603[%swap3A_604] {strides = array<i32>} : memref<128xi32, #tpu.memory_space<vmem>>, vector<16xi32>,
        tpu.vector_store %swap3A_603[%swap3A_604], %mul3A_600 {strides = array<i32>} : memref<128xi32, #tpu.memory_space<vmem>>, vector<16xi32>,
        %get3A_606 = arith.constant 0 : i32
        %get3A_607 = tpu.memref_slice %arg7[%add3A_35, %get3A_606] : memref<200x128xi32, #tpu.memory_space<vmem>> -> memref<1x128xi32, #tpu.memory_space<vmem>>
        %get3A_608 = tpu.memref_squeeze %get3A_607 : memref<1x128xi32, #tpu.memory_space<vmem>> -> memref<128xi32, #tpu.memory_space<vmem>>
        %get3A_609 = arith.constant 16 : index
        %get3A_610 = tpu.vector_load %get3A_608[%get3A_609] {strides = array<i32>} : memref<128xi32, #tpu.memory_space<vmem>>, vector<16xi32>,
        %mul3A_611 = arith.constant 2 : i32
        %mul3A_612 = vector.broadcast %mul3A_611 : i32 to vector<16xi32>
        %mul3A_613 = arith.muli %get3A_610, %mul3A_612 : vector<16xi32>
        %swap3A_614 = arith.constant 0 : i32
        %swap3A_615 = tpu.memref_slice %arg11[%select_n3A_593, %swap3A_614] : memref<8x128xi32, #tpu.memory_space<vmem>> -> memref<1x128xi32, #tpu.memory_space<vmem>>
        %swap3A_616 = tpu.memref_squeeze %swap3A_615 : memref<1x128xi32, #tpu.memory_space<vmem>> -> memref<128xi32, #tpu.memory_space<vmem>>
        %swap3A_617 = arith.constant 16 : index
        %swap3A_618 = tpu.vector_load %swap3A_616[%swap3A_617] {strides = array<i32>} : memref<128xi32, #tpu.memory_space<vmem>>, vector<16xi32>,
        tpu.vector_store %swap3A_616[%swap3A_617], %mul3A_613 {strides = array<i32>} : memref<128xi32, #tpu.memory_space<vmem>>, vector<16xi32>,
        %get3A_619 = arith.constant 0 : i32
        %get3A_620 = tpu.memref_slice %arg7[%add3A_35, %get3A_619] : memref<200x128xi32, #tpu.memory_space<vmem>> -> memref<1x128xi32, #tpu.memory_space<vmem>>
        %get3A_621 = tpu.memref_squeeze %get3A_620 : memref<1x128xi32, #tpu.memory_space<vmem>> -> memref<128xi32, #tpu.memory_space<vmem>>
        %get3A_622 = arith.constant 32 : index
        %get3A_623 = tpu.vector_load %get3A_621[%get3A_622] {strides = array<i32>} : memref<128xi32, #tpu.memory_space<vmem>>, vector<16xi32>,
        %mul3A_624 = arith.constant 2 : i32
        %mul3A_625 = vector.broadcast %mul3A_624 : i32 to vector<16xi32>
        %mul3A_626 = arith.muli %get3A_623, %mul3A_625 : vector<16xi32>
        %swap3A_627 = arith.constant 0 : i32
        %swap3A_628 = tpu.memref_slice %arg11[%select_n3A_593, %swap3A_627] : memref<8x128xi32, #tpu.memory_space<vmem>> -> memref<1x128xi32, #tpu.memory_space<vmem>>
        %swap3A_629 = tpu.memref_squeeze %swap3A_628 : memref<1x128xi32, #tpu.memory_space<vmem>> -> memref<128xi32, #tpu.memory_space<vmem>>
        %swap3A_630 = arith.constant 32 : index
        %swap3A_631 = tpu.vector_load %swap3A_629[%swap3A_630] {strides = array<i32>} : memref<128xi32, #tpu.memory_space<vmem>>, vector<16xi32>,
        tpu.vector_store %swap3A_629[%swap3A_630], %mul3A_626 {strides = array<i32>} : memref<128xi32, #tpu.memory_space<vmem>>, vector<16xi32>,
        %get3A_632 = arith.constant 0 : i32
        %get3A_633 = tpu.memref_slice %arg7[%add3A_35, %get3A_632] : memref<200x128xi32, #tpu.memory_space<vmem>> -> memref<1x128xi32, #tpu.memory_space<vmem>>
        %get3A_634 = tpu.memref_squeeze %get3A_633 : memref<1x128xi32, #tpu.memory_space<vmem>> -> memref<128xi32, #tpu.memory_space<vmem>>
        %get3A_635 = arith.constant 48 : index
        %get3A_636 = tpu.vector_load %get3A_634[%get3A_635] {strides = array<i32>} : memref<128xi32, #tpu.memory_space<vmem>>, vector<16xi32>,
        %mul3A_637 = arith.constant 2 : i32
        %mul3A_638 = vector.broadcast %mul3A_637 : i32 to vector<16xi32>
        %mul3A_639 = arith.muli %get3A_636, %mul3A_638 : vector<16xi32>
        %swap3A_640 = arith.constant 0 : i32
        %swap3A_641 = tpu.memref_slice %arg11[%select_n3A_593, %swap3A_640] : memref<8x128xi32, #tpu.memory_space<vmem>> -> memref<1x128xi32, #tpu.memory_space<vmem>>
        %swap3A_642 = tpu.memref_squeeze %swap3A_641 : memref<1x128xi32, #tpu.memory_space<vmem>> -> memref<128xi32, #tpu.memory_space<vmem>>
        %swap3A_643 = arith.constant 48 : index
        %swap3A_644 = tpu.vector_load %swap3A_642[%swap3A_643] {strides = array<i32>} : memref<128xi32, #tpu.memory_space<vmem>>, vector<16xi32>,
        tpu.vector_store %swap3A_642[%swap3A_643], %mul3A_639 {strides = array<i32>} : memref<128xi32, #tpu.memory_space<vmem>>, vector<16xi32>,
        %get3A_645 = arith.constant 0 : i32
        %get3A_646 = tpu.memref_slice %arg7[%add3A_35, %get3A_645] : memref<200x128xi32, #tpu.memory_space<vmem>> -> memref<1x128xi32, #tpu.memory_space<vmem>>
        %get3A_647 = tpu.memref_squeeze %get3A_646 : memref<1x128xi32, #tpu.memory_space<vmem>> -> memref<128xi32, #tpu.memory_space<vmem>>
        %get3A_648 = arith.constant 64 : index
        %get3A_649 = tpu.vector_load %get3A_647[%get3A_648] {strides = array<i32>} : memref<128xi32, #tpu.memory_space<vmem>>, vector<16xi32>,
        %mul3A_650 = arith.constant 2 : i32
        %mul3A_651 = vector.broadcast %mul3A_650 : i32 to vector<16xi32>
        %mul3A_652 = arith.muli %get3A_649, %mul3A_651 : vector<16xi32>
        %swap3A_653 = arith.constant 0 : i32
        %swap3A_654 = tpu.memref_slice %arg11[%select_n3A_593, %swap3A_653] : memref<8x128xi32, #tpu.memory_space<vmem>> -> memref<1x128xi32, #tpu.memory_space<vmem>>
        %swap3A_655 = tpu.memref_squeeze %swap3A_654 : memref<1x128xi32, #tpu.memory_space<vmem>> -> memref<128xi32, #tpu.memory_space<vmem>>
        %swap3A_656 = arith.constant 64 : index
        %swap3A_657 = tpu.vector_load %swap3A_655[%swap3A_656] {strides = array<i32>} : memref<128xi32, #tpu.memory_space<vmem>>, vector<16xi32>,
        tpu.vector_store %swap3A_655[%swap3A_656], %mul3A_652 {strides = array<i32>} : memref<128xi32, #tpu.memory_space<vmem>>, vector<16xi32>,
        %get3A_658 = arith.constant 0 : i32
        %get3A_659 = tpu.memref_slice %arg7[%add3A_35, %get3A_658] : memref<200x128xi32, #tpu.memory_space<vmem>> -> memref<1x128xi32, #tpu.memory_space<vmem>>
        %get3A_660 = tpu.memref_squeeze %get3A_659 : memref<1x128xi32, #tpu.memory_space<vmem>> -> memref<128xi32, #tpu.memory_space<vmem>>
        %get3A_661 = arith.constant 80 : index
        %get3A_662 = tpu.vector_load %get3A_660[%get3A_661] {strides = array<i32>} : memref<128xi32, #tpu.memory_space<vmem>>, vector<16xi32>,
        %mul3A_663 = arith.constant 2 : i32
        %mul3A_664 = vector.broadcast %mul3A_663 : i32 to vector<16xi32>
        %mul3A_665 = arith.muli %get3A_662, %mul3A_664 : vector<16xi32>
        %swap3A_666 = arith.constant 0 : i32
        %swap3A_667 = tpu.memref_slice %arg11[%select_n3A_593, %swap3A_666] : memref<8x128xi32, #tpu.memory_space<vmem>> -> memref<1x128xi32, #tpu.memory_space<vmem>>
        %swap3A_668 = tpu.memref_squeeze %swap3A_667 : memref<1x128xi32, #tpu.memory_space<vmem>> -> memref<128xi32, #tpu.memory_space<vmem>>
        %swap3A_669 = arith.constant 80 : index
        %swap3A_670 = tpu.vector_load %swap3A_668[%swap3A_669] {strides = array<i32>} : memref<128xi32, #tpu.memory_space<vmem>>, vector<16xi32>,
        tpu.vector_store %swap3A_668[%swap3A_669], %mul3A_665 {strides = array<i32>} : memref<128xi32, #tpu.memory_space<vmem>>, vector<16xi32>,
        %get3A_671 = arith.constant 0 : i32
        %get3A_672 = tpu.memref_slice %arg7[%add3A_35, %get3A_671] : memref<200x128xi32, #tpu.memory_space<vmem>> -> memref<1x128xi32, #tpu.memory_space<vmem>>
        %get3A_673 = tpu.memref_squeeze %get3A_672 : memref<1x128xi32, #tpu.memory_space<vmem>> -> memref<128xi32, #tpu.memory_space<vmem>>
        %get3A_674 = arith.constant 96 : index
        %get3A_675 = tpu.vector_load %get3A_673[%get3A_674] {strides = array<i32>} : memref<128xi32, #tpu.memory_space<vmem>>, vector<16xi32>,
        %mul3A_676 = arith.constant 2 : i32
        %mul3A_677 = vector.broadcast %mul3A_676 : i32 to vector<16xi32>
        %mul3A_678 = arith.muli %get3A_675, %mul3A_677 : vector<16xi32>
        %swap3A_679 = arith.constant 0 : i32
        %swap3A_680 = tpu.memref_slice %arg11[%select_n3A_593, %swap3A_679] : memref<8x128xi32, #tpu.memory_space<vmem>> -> memref<1x128xi32, #tpu.memory_space<vmem>>
        %swap3A_681 = tpu.memref_squeeze %swap3A_680 : memref<1x128xi32, #tpu.memory_space<vmem>> -> memref<128xi32, #tpu.memory_space<vmem>>
        %swap3A_682 = arith.constant 96 : index
        %swap3A_683 = tpu.vector_load %swap3A_681[%swap3A_682] {strides = array<i32>} : memref<128xi32, #tpu.memory_space<vmem>>, vector<16xi32>,
        tpu.vector_store %swap3A_681[%swap3A_682], %mul3A_678 {strides = array<i32>} : memref<128xi32, #tpu.memory_space<vmem>>, vector<16xi32>,
        %get3A_684 = arith.constant 0 : i32
        %get3A_685 = tpu.memref_slice %arg7[%add3A_35, %get3A_684] : memref<200x128xi32, #tpu.memory_space<vmem>> -> memref<1x128xi32, #tpu.memory_space<vmem>>
        %get3A_686 = tpu.memref_squeeze %get3A_685 : memref<1x128xi32, #tpu.memory_space<vmem>> -> memref<128xi32, #tpu.memory_space<vmem>>
        %get3A_687 = arith.constant 112 : index
        %get3A_688 = tpu.vector_load %get3A_686[%get3A_687] {strides = array<i32>} : memref<128xi32, #tpu.memory_space<vmem>>, vector<16xi32>,
        %mul3A_689 = arith.constant 2 : i32
        %mul3A_690 = vector.broadcast %mul3A_689 : i32 to vector<16xi32>
        %mul3A_691 = arith.muli %get3A_688, %mul3A_690 : vector<16xi32>
        %swap3A_692 = arith.constant 0 : i32
        %swap3A_693 = tpu.memref_slice %arg11[%select_n3A_593, %swap3A_692] : memref<8x128xi32, #tpu.memory_space<vmem>> -> memref<1x128xi32, #tpu.memory_space<vmem>>
        %swap3A_694 = tpu.memref_squeeze %swap3A_693 : memref<1x128xi32, #tpu.memory_space<vmem>> -> memref<128xi32, #tpu.memory_space<vmem>>
        %swap3A_695 = arith.constant 112 : index
        %swap3A_696 = tpu.vector_load %swap3A_694[%swap3A_695] {strides = array<i32>} : memref<128xi32, #tpu.memory_space<vmem>>, vector<16xi32>,
        tpu.vector_store %swap3A_694[%swap3A_695], %mul3A_691 {strides = array<i32>} : memref<128xi32, #tpu.memory_space<vmem>>, vector<16xi32>,
        %mul3A_697 = arith.constant 128 : i32
        %mul3A_698 = arith.muli %select_n3A_593, %mul3A_697 : i32
        %dma_start3A = arith.constant 0 : i32
        %dma_start3A_699 = tpu.memref_slice %arg9[%mul3A_698, %dma_start3A] : memref<1024x64xf32, #tpu.memory_space<vmem>> -> memref<128x64xf32, #tpu.memory_space<vmem>>
        %dma_start3A_700 = arith.constant 0 : i32
        %dma_start3A_701 = tpu.memref_slice %arg11[%select_n3A_593, %dma_start3A_700] : memref<8x128xi32, #tpu.memory_space<vmem>> -> memref<1x128xi32, #tpu.memory_space<vmem>>
        %dma_start3A_702 = tpu.memref_squeeze %dma_start3A_701 : memref<1x128xi32, #tpu.memory_space<vmem>> -> memref<128xi32, #tpu.memory_space<vmem>>
        %dma_start3A_703 = arith.constant 0 : i32
        %dma_start3A_704 = arith.constant 0 : i32
        %dma_start3A_705 = tpu.memref_slice %arg4[%dma_start3A_703, %dma_start3A_704] : memref<2000016x64xf32, #tpu.memory_space<hbm>> -> memref<2000016x64xf32, #tpu.memory_space<hbm>>
        tpu.enqueue_indirect_dma source(%dma_start3A_705 : memref<2000016x64xf32, #tpu.memory_space<hbm>>) target(%dma_start3A_699 : memref<128x64xf32, #tpu.memory_space<vmem>>) offsets(%dma_start3A_702 : memref<128xi32, #tpu.memory_space<vmem>>) semaphore(%arg13 : memref<!tpu.dma_semaphore, #tpu.memory_space<semaphore_mem>>)
        %mul3A_706 = arith.constant 128 : i32
        %mul3A_707 = arith.muli %select_n3A_593, %mul3A_706 : i32
        %dma_start3A_708 = tpu.memref_slice %arg10[%mul3A_707] : memref<1024xf32, #tpu.memory_space<vmem>> -> memref<128xf32, #tpu.memory_space<vmem>>
        %dma_start3A_709 = arith.constant 0 : i32
        %dma_start3A_710 = tpu.memref_slice %arg7[%add3A_35, %dma_start3A_709] : memref<200x128xi32, #tpu.memory_space<vmem>> -> memref<1x128xi32, #tpu.memory_space<vmem>>
        %dma_start3A_711 = tpu.memref_squeeze %dma_start3A_710 : memref<1x128xi32, #tpu.memory_space<vmem>> -> memref<128xi32, #tpu.memory_space<vmem>>
        %dma_start3A_712 = arith.constant 0 : i32
        %dma_start3A_713 = tpu.memref_slice %arg5[%dma_start3A_712] : memref<1000064xf32, #tpu.memory_space<hbm>> -> memref<1000064xf32, #tpu.memory_space<hbm>>
        tpu.enqueue_indirect_dma source(%dma_start3A_713 : memref<1000064xf32, #tpu.memory_space<hbm>>) target(%dma_start3A_708 : memref<128xf32, #tpu.memory_space<vmem>>) offsets(%dma_start3A_711 : memref<128xi32, #tpu.memory_space<vmem>>) semaphore(%arg14 : memref<!tpu.dma_semaphore, #tpu.memory_space<semaphore_mem>>)
      } else {
      }
      %lt3A_42 = arith.cmpi slt, %add3A_37, %min3A_40 : i32
      %convert_element_type3A_43 = arith.extui %lt3A_42 : i1 to i32
      %cond3A_44 = arith.constant 0 : i32
      %cond3A_45 = arith.cmpi ne, %convert_element_type3A_43, %cond3A_44 : i32
      scf.if %cond3A_45 {
        %jit3A_578 = arith.constant 8 : i32
        %eq3A_579 = arith.constant 0 : i32
        %eq3A_580 = arith.cmpi eq, %jit3A_578, %eq3A_579 : i32
        %jit3A_581 = arith.constant 1 : i32
        %select_n3A_582 = arith.select %eq3A_580, %jit3A_581, %jit3A_578 : i32
        %rem3A_583 = arith.remsi %add3A_37, %select_n3A_582 : i32
        %ne3A_584 = arith.constant 0 : i32
        %ne3A_585 = arith.cmpi ne, %rem3A_583, %ne3A_584 : i32
        %lt3A_586 = arith.constant 0 : i32
        %lt3A_587 = arith.cmpi slt, %rem3A_583, %lt3A_586 : i32
        %lt3A_588 = arith.constant 0 : i32
        %lt3A_589 = arith.cmpi slt, %select_n3A_582, %lt3A_588 : i32
        %ne3A_590 = arith.xori %lt3A_587, %lt3A_589 : i1
        %and3A_591 = arith.andi %ne3A_590, %ne3A_585 : i1
        %add3A_592 = arith.addi %rem3A_583, %select_n3A_582 : i32
        %select_n3A_593 = arith.select %and3A_591, %add3A_592, %rem3A_583 : i32
        %get3A = arith.constant 0 : i32
        %get3A_594 = tpu.memref_slice %arg7[%add3A_37, %get3A] : memref<200x128xi32, #tpu.memory_space<vmem>> -> memref<1x128xi32, #tpu.memory_space<vmem>>
        %get3A_595 = tpu.memref_squeeze %get3A_594 : memref<1x128xi32, #tpu.memory_space<vmem>> -> memref<128xi32, #tpu.memory_space<vmem>>
        %get3A_596 = arith.constant 0 : index
        %get3A_597 = tpu.vector_load %get3A_595[%get3A_596] {strides = array<i32>} : memref<128xi32, #tpu.memory_space<vmem>>, vector<16xi32>,
        %mul3A_598 = arith.constant 2 : i32
        %mul3A_599 = vector.broadcast %mul3A_598 : i32 to vector<16xi32>
        %mul3A_600 = arith.muli %get3A_597, %mul3A_599 : vector<16xi32>
        %swap3A_601 = arith.constant 0 : i32
        %swap3A_602 = tpu.memref_slice %arg11[%select_n3A_593, %swap3A_601] : memref<8x128xi32, #tpu.memory_space<vmem>> -> memref<1x128xi32, #tpu.memory_space<vmem>>
        %swap3A_603 = tpu.memref_squeeze %swap3A_602 : memref<1x128xi32, #tpu.memory_space<vmem>> -> memref<128xi32, #tpu.memory_space<vmem>>
        %swap3A_604 = arith.constant 0 : index
        %swap3A_605 = tpu.vector_load %swap3A_603[%swap3A_604] {strides = array<i32>} : memref<128xi32, #tpu.memory_space<vmem>>, vector<16xi32>,
        tpu.vector_store %swap3A_603[%swap3A_604], %mul3A_600 {strides = array<i32>} : memref<128xi32, #tpu.memory_space<vmem>>, vector<16xi32>,
        %get3A_606 = arith.constant 0 : i32
        %get3A_607 = tpu.memref_slice %arg7[%add3A_37, %get3A_606] : memref<200x128xi32, #tpu.memory_space<vmem>> -> memref<1x128xi32, #tpu.memory_space<vmem>>
        %get3A_608 = tpu.memref_squeeze %get3A_607 : memref<1x128xi32, #tpu.memory_space<vmem>> -> memref<128xi32, #tpu.memory_space<vmem>>
        %get3A_609 = arith.constant 16 : index
        %get3A_610 = tpu.vector_load %get3A_608[%get3A_609] {strides = array<i32>} : memref<128xi32, #tpu.memory_space<vmem>>, vector<16xi32>,
        %mul3A_611 = arith.constant 2 : i32
        %mul3A_612 = vector.broadcast %mul3A_611 : i32 to vector<16xi32>
        %mul3A_613 = arith.muli %get3A_610, %mul3A_612 : vector<16xi32>
        %swap3A_614 = arith.constant 0 : i32
        %swap3A_615 = tpu.memref_slice %arg11[%select_n3A_593, %swap3A_614] : memref<8x128xi32, #tpu.memory_space<vmem>> -> memref<1x128xi32, #tpu.memory_space<vmem>>
        %swap3A_616 = tpu.memref_squeeze %swap3A_615 : memref<1x128xi32, #tpu.memory_space<vmem>> -> memref<128xi32, #tpu.memory_space<vmem>>
        %swap3A_617 = arith.constant 16 : index
        %swap3A_618 = tpu.vector_load %swap3A_616[%swap3A_617] {strides = array<i32>} : memref<128xi32, #tpu.memory_space<vmem>>, vector<16xi32>,
        tpu.vector_store %swap3A_616[%swap3A_617], %mul3A_613 {strides = array<i32>} : memref<128xi32, #tpu.memory_space<vmem>>, vector<16xi32>,
        %get3A_619 = arith.constant 0 : i32
        %get3A_620 = tpu.memref_slice %arg7[%add3A_37, %get3A_619] : memref<200x128xi32, #tpu.memory_space<vmem>> -> memref<1x128xi32, #tpu.memory_space<vmem>>
        %get3A_621 = tpu.memref_squeeze %get3A_620 : memref<1x128xi32, #tpu.memory_space<vmem>> -> memref<128xi32, #tpu.memory_space<vmem>>
        %get3A_622 = arith.constant 32 : index
        %get3A_623 = tpu.vector_load %get3A_621[%get3A_622] {strides = array<i32>} : memref<128xi32, #tpu.memory_space<vmem>>, vector<16xi32>,
        %mul3A_624 = arith.constant 2 : i32
        %mul3A_625 = vector.broadcast %mul3A_624 : i32 to vector<16xi32>
        %mul3A_626 = arith.muli %get3A_623, %mul3A_625 : vector<16xi32>
        %swap3A_627 = arith.constant 0 : i32
        %swap3A_628 = tpu.memref_slice %arg11[%select_n3A_593, %swap3A_627] : memref<8x128xi32, #tpu.memory_space<vmem>> -> memref<1x128xi32, #tpu.memory_space<vmem>>
        %swap3A_629 = tpu.memref_squeeze %swap3A_628 : memref<1x128xi32, #tpu.memory_space<vmem>> -> memref<128xi32, #tpu.memory_space<vmem>>
        %swap3A_630 = arith.constant 32 : index
        %swap3A_631 = tpu.vector_load %swap3A_629[%swap3A_630] {strides = array<i32>} : memref<128xi32, #tpu.memory_space<vmem>>, vector<16xi32>,
        tpu.vector_store %swap3A_629[%swap3A_630], %mul3A_626 {strides = array<i32>} : memref<128xi32, #tpu.memory_space<vmem>>, vector<16xi32>,
        %get3A_632 = arith.constant 0 : i32
        %get3A_633 = tpu.memref_slice %arg7[%add3A_37, %get3A_632] : memref<200x128xi32, #tpu.memory_space<vmem>> -> memref<1x128xi32, #tpu.memory_space<vmem>>
        %get3A_634 = tpu.memref_squeeze %get3A_633 : memref<1x128xi32, #tpu.memory_space<vmem>> -> memref<128xi32, #tpu.memory_space<vmem>>
        %get3A_635 = arith.constant 48 : index
        %get3A_636 = tpu.vector_load %get3A_634[%get3A_635] {strides = array<i32>} : memref<128xi32, #tpu.memory_space<vmem>>, vector<16xi32>,
        %mul3A_637 = arith.constant 2 : i32
        %mul3A_638 = vector.broadcast %mul3A_637 : i32 to vector<16xi32>
        %mul3A_639 = arith.muli %get3A_636, %mul3A_638 : vector<16xi32>
        %swap3A_640 = arith.constant 0 : i32
        %swap3A_641 = tpu.memref_slice %arg11[%select_n3A_593, %swap3A_640] : memref<8x128xi32, #tpu.memory_space<vmem>> -> memref<1x128xi32, #tpu.memory_space<vmem>>
        %swap3A_642 = tpu.memref_squeeze %swap3A_641 : memref<1x128xi32, #tpu.memory_space<vmem>> -> memref<128xi32, #tpu.memory_space<vmem>>
        %swap3A_643 = arith.constant 48 : index
        %swap3A_644 = tpu.vector_load %swap3A_642[%swap3A_643] {strides = array<i32>} : memref<128xi32, #tpu.memory_space<vmem>>, vector<16xi32>,
        tpu.vector_store %swap3A_642[%swap3A_643], %mul3A_639 {strides = array<i32>} : memref<128xi32, #tpu.memory_space<vmem>>, vector<16xi32>,
        %get3A_645 = arith.constant 0 : i32
        %get3A_646 = tpu.memref_slice %arg7[%add3A_37, %get3A_645] : memref<200x128xi32, #tpu.memory_space<vmem>> -> memref<1x128xi32, #tpu.memory_space<vmem>>
        %get3A_647 = tpu.memref_squeeze %get3A_646 : memref<1x128xi32, #tpu.memory_space<vmem>> -> memref<128xi32, #tpu.memory_space<vmem>>
        %get3A_648 = arith.constant 64 : index
        %get3A_649 = tpu.vector_load %get3A_647[%get3A_648] {strides = array<i32>} : memref<128xi32, #tpu.memory_space<vmem>>, vector<16xi32>,
        %mul3A_650 = arith.constant 2 : i32
        %mul3A_651 = vector.broadcast %mul3A_650 : i32 to vector<16xi32>
        %mul3A_652 = arith.muli %get3A_649, %mul3A_651 : vector<16xi32>
        %swap3A_653 = arith.constant 0 : i32
        %swap3A_654 = tpu.memref_slice %arg11[%select_n3A_593, %swap3A_653] : memref<8x128xi32, #tpu.memory_space<vmem>> -> memref<1x128xi32, #tpu.memory_space<vmem>>
        %swap3A_655 = tpu.memref_squeeze %swap3A_654 : memref<1x128xi32, #tpu.memory_space<vmem>> -> memref<128xi32, #tpu.memory_space<vmem>>
        %swap3A_656 = arith.constant 64 : index
        %swap3A_657 = tpu.vector_load %swap3A_655[%swap3A_656] {strides = array<i32>} : memref<128xi32, #tpu.memory_space<vmem>>, vector<16xi32>,
        tpu.vector_store %swap3A_655[%swap3A_656], %mul3A_652 {strides = array<i32>} : memref<128xi32, #tpu.memory_space<vmem>>, vector<16xi32>,
        %get3A_658 = arith.constant 0 : i32
        %get3A_659 = tpu.memref_slice %arg7[%add3A_37, %get3A_658] : memref<200x128xi32, #tpu.memory_space<vmem>> -> memref<1x128xi32, #tpu.memory_space<vmem>>
        %get3A_660 = tpu.memref_squeeze %get3A_659 : memref<1x128xi32, #tpu.memory_space<vmem>> -> memref<128xi32, #tpu.memory_space<vmem>>
        %get3A_661 = arith.constant 80 : index
        %get3A_662 = tpu.vector_load %get3A_660[%get3A_661] {strides = array<i32>} : memref<128xi32, #tpu.memory_space<vmem>>, vector<16xi32>,
        %mul3A_663 = arith.constant 2 : i32
        %mul3A_664 = vector.broadcast %mul3A_663 : i32 to vector<16xi32>
        %mul3A_665 = arith.muli %get3A_662, %mul3A_664 : vector<16xi32>
        %swap3A_666 = arith.constant 0 : i32
        %swap3A_667 = tpu.memref_slice %arg11[%select_n3A_593, %swap3A_666] : memref<8x128xi32, #tpu.memory_space<vmem>> -> memref<1x128xi32, #tpu.memory_space<vmem>>
        %swap3A_668 = tpu.memref_squeeze %swap3A_667 : memref<1x128xi32, #tpu.memory_space<vmem>> -> memref<128xi32, #tpu.memory_space<vmem>>
        %swap3A_669 = arith.constant 80 : index
        %swap3A_670 = tpu.vector_load %swap3A_668[%swap3A_669] {strides = array<i32>} : memref<128xi32, #tpu.memory_space<vmem>>, vector<16xi32>,
        tpu.vector_store %swap3A_668[%swap3A_669], %mul3A_665 {strides = array<i32>} : memref<128xi32, #tpu.memory_space<vmem>>, vector<16xi32>,
        %get3A_671 = arith.constant 0 : i32
        %get3A_672 = tpu.memref_slice %arg7[%add3A_37, %get3A_671] : memref<200x128xi32, #tpu.memory_space<vmem>> -> memref<1x128xi32, #tpu.memory_space<vmem>>
        %get3A_673 = tpu.memref_squeeze %get3A_672 : memref<1x128xi32, #tpu.memory_space<vmem>> -> memref<128xi32, #tpu.memory_space<vmem>>
        %get3A_674 = arith.constant 96 : index
        %get3A_675 = tpu.vector_load %get3A_673[%get3A_674] {strides = array<i32>} : memref<128xi32, #tpu.memory_space<vmem>>, vector<16xi32>,
        %mul3A_676 = arith.constant 2 : i32
        %mul3A_677 = vector.broadcast %mul3A_676 : i32 to vector<16xi32>
        %mul3A_678 = arith.muli %get3A_675, %mul3A_677 : vector<16xi32>
        %swap3A_679 = arith.constant 0 : i32
        %swap3A_680 = tpu.memref_slice %arg11[%select_n3A_593, %swap3A_679] : memref<8x128xi32, #tpu.memory_space<vmem>> -> memref<1x128xi32, #tpu.memory_space<vmem>>
        %swap3A_681 = tpu.memref_squeeze %swap3A_680 : memref<1x128xi32, #tpu.memory_space<vmem>> -> memref<128xi32, #tpu.memory_space<vmem>>
        %swap3A_682 = arith.constant 96 : index
        %swap3A_683 = tpu.vector_load %swap3A_681[%swap3A_682] {strides = array<i32>} : memref<128xi32, #tpu.memory_space<vmem>>, vector<16xi32>,
        tpu.vector_store %swap3A_681[%swap3A_682], %mul3A_678 {strides = array<i32>} : memref<128xi32, #tpu.memory_space<vmem>>, vector<16xi32>,
        %get3A_684 = arith.constant 0 : i32
        %get3A_685 = tpu.memref_slice %arg7[%add3A_37, %get3A_684] : memref<200x128xi32, #tpu.memory_space<vmem>> -> memref<1x128xi32, #tpu.memory_space<vmem>>
        %get3A_686 = tpu.memref_squeeze %get3A_685 : memref<1x128xi32, #tpu.memory_space<vmem>> -> memref<128xi32, #tpu.memory_space<vmem>>
        %get3A_687 = arith.constant 112 : index
        %get3A_688 = tpu.vector_load %get3A_686[%get3A_687] {strides = array<i32>} : memref<128xi32, #tpu.memory_space<vmem>>, vector<16xi32>,
        %mul3A_689 = arith.constant 2 : i32
        %mul3A_690 = vector.broadcast %mul3A_689 : i32 to vector<16xi32>
        %mul3A_691 = arith.muli %get3A_688, %mul3A_690 : vector<16xi32>
        %swap3A_692 = arith.constant 0 : i32
        %swap3A_693 = tpu.memref_slice %arg11[%select_n3A_593, %swap3A_692] : memref<8x128xi32, #tpu.memory_space<vmem>> -> memref<1x128xi32, #tpu.memory_space<vmem>>
        %swap3A_694 = tpu.memref_squeeze %swap3A_693 : memref<1x128xi32, #tpu.memory_space<vmem>> -> memref<128xi32, #tpu.memory_space<vmem>>
        %swap3A_695 = arith.constant 112 : index
        %swap3A_696 = tpu.vector_load %swap3A_694[%swap3A_695] {strides = array<i32>} : memref<128xi32, #tpu.memory_space<vmem>>, vector<16xi32>,
        tpu.vector_store %swap3A_694[%swap3A_695], %mul3A_691 {strides = array<i32>} : memref<128xi32, #tpu.memory_space<vmem>>, vector<16xi32>,
        %mul3A_697 = arith.constant 128 : i32
        %mul3A_698 = arith.muli %select_n3A_593, %mul3A_697 : i32
        %dma_start3A = arith.constant 0 : i32
        %dma_start3A_699 = tpu.memref_slice %arg9[%mul3A_698, %dma_start3A] : memref<1024x64xf32, #tpu.memory_space<vmem>> -> memref<128x64xf32, #tpu.memory_space<vmem>>
        %dma_start3A_700 = arith.constant 0 : i32
        %dma_start3A_701 = tpu.memref_slice %arg11[%select_n3A_593, %dma_start3A_700] : memref<8x128xi32, #tpu.memory_space<vmem>> -> memref<1x128xi32, #tpu.memory_space<vmem>>
        %dma_start3A_702 = tpu.memref_squeeze %dma_start3A_701 : memref<1x128xi32, #tpu.memory_space<vmem>> -> memref<128xi32, #tpu.memory_space<vmem>>
        %dma_start3A_703 = arith.constant 0 : i32
        %dma_start3A_704 = arith.constant 0 : i32
        %dma_start3A_705 = tpu.memref_slice %arg4[%dma_start3A_703, %dma_start3A_704] : memref<2000016x64xf32, #tpu.memory_space<hbm>> -> memref<2000016x64xf32, #tpu.memory_space<hbm>>
        tpu.enqueue_indirect_dma source(%dma_start3A_705 : memref<2000016x64xf32, #tpu.memory_space<hbm>>) target(%dma_start3A_699 : memref<128x64xf32, #tpu.memory_space<vmem>>) offsets(%dma_start3A_702 : memref<128xi32, #tpu.memory_space<vmem>>) semaphore(%arg13 : memref<!tpu.dma_semaphore, #tpu.memory_space<semaphore_mem>>)
        %mul3A_706 = arith.constant 128 : i32
        %mul3A_707 = arith.muli %select_n3A_593, %mul3A_706 : i32
        %dma_start3A_708 = tpu.memref_slice %arg10[%mul3A_707] : memref<1024xf32, #tpu.memory_space<vmem>> -> memref<128xf32, #tpu.memory_space<vmem>>
        %dma_start3A_709 = arith.constant 0 : i32
        %dma_start3A_710 = tpu.memref_slice %arg7[%add3A_37, %dma_start3A_709] : memref<200x128xi32, #tpu.memory_space<vmem>> -> memref<1x128xi32, #tpu.memory_space<vmem>>
        %dma_start3A_711 = tpu.memref_squeeze %dma_start3A_710 : memref<1x128xi32, #tpu.memory_space<vmem>> -> memref<128xi32, #tpu.memory_space<vmem>>
        %dma_start3A_712 = arith.constant 0 : i32
        %dma_start3A_713 = tpu.memref_slice %arg5[%dma_start3A_712] : memref<1000064xf32, #tpu.memory_space<hbm>> -> memref<1000064xf32, #tpu.memory_space<hbm>>
        tpu.enqueue_indirect_dma source(%dma_start3A_713 : memref<1000064xf32, #tpu.memory_space<hbm>>) target(%dma_start3A_708 : memref<128xf32, #tpu.memory_space<vmem>>) offsets(%dma_start3A_711 : memref<128xi32, #tpu.memory_space<vmem>>) semaphore(%arg14 : memref<!tpu.dma_semaphore, #tpu.memory_space<semaphore_mem>>)
      } else {
      }
      %dma_wait3A_46 = arith.constant 0 : i32
      %dma_wait3A_47 = arith.constant 0 : i32
      %dma_wait3A_48 = tpu.memref_slice %arg9[%dma_wait3A_46, %dma_wait3A_47] : memref<1024x64xf32, #tpu.memory_space<vmem>> -> memref<128x64xf32, #tpu.memory_space<vmem>>
      %dma_wait3A_49 = arith.constant 0 : i32
      %dma_wait3A_50 = arith.constant 0 : i32
      %dma_wait3A_51 = tpu.memref_slice %arg4[%dma_wait3A_49, %dma_wait3A_50] : memref<2000016x64xf32, #tpu.memory_space<hbm>> -> memref<128x64xf32, #tpu.memory_space<hbm>>
      %dma_wait3A_52 = arith.constant 0 : i32
      %dma_wait3A_53 = arith.constant 0 : i32
      %dma_wait3A_54 = tpu.memref_slice %arg9[%dma_wait3A_52, %dma_wait3A_53] : memref<1024x64xf32, #tpu.memory_space<vmem>> -> memref<128x64xf32, #tpu.memory_space<vmem>>
      %dma_wait3A_55 = arith.constant 0 : i32
      %dma_wait3A_56 = arith.constant 0 : i32
      %dma_wait3A_57 = tpu.memref_slice %arg4[%dma_wait3A_55, %dma_wait3A_56] : memref<2000016x64xf32, #tpu.memory_space<hbm>> -> memref<128x64xf32, #tpu.memory_space<hbm>>
      tpu.wait_dma2 semaphore(%arg13 : memref<!tpu.dma_semaphore, #tpu.memory_space<semaphore_mem>>) src(%dma_wait3A_57 : memref<128x64xf32, #tpu.memory_space<hbm>>) dst(%dma_wait3A_54 : memref<128x64xf32, #tpu.memory_space<vmem>>)
      %dma_wait3A_58 = arith.constant 0 : i32
      %dma_wait3A_59 = tpu.memref_slice %arg10[%dma_wait3A_58] : memref<1024xf32, #tpu.memory_space<vmem>> -> memref<128xf32, #tpu.memory_space<vmem>>
      %dma_wait3A_60 = arith.constant 0 : i32
      %dma_wait3A_61 = tpu.memref_slice %arg5[%dma_wait3A_60] : memref<1000064xf32, #tpu.memory_space<hbm>> -> memref<128xf32, #tpu.memory_space<hbm>>
      %dma_wait3A_62 = arith.constant 0 : i32
      %dma_wait3A_63 = tpu.memref_slice %arg10[%dma_wait3A_62] : memref<1024xf32, #tpu.memory_space<vmem>> -> memref<128xf32, #tpu.memory_space<vmem>>
      %dma_wait3A_64 = arith.constant 0 : i32
      %dma_wait3A_65 = tpu.memref_slice %arg5[%dma_wait3A_64] : memref<1000064xf32, #tpu.memory_space<hbm>> -> memref<128xf32, #tpu.memory_space<hbm>>
      tpu.wait_dma2 semaphore(%arg14 : memref<!tpu.dma_semaphore, #tpu.memory_space<semaphore_mem>>) src(%dma_wait3A_65 : memref<128xf32, #tpu.memory_space<hbm>>) dst(%dma_wait3A_63 : memref<128xf32, #tpu.memory_space<vmem>>)
      %sub3A = arith.subi %shift_right_arithmetic3A_33, %shift_right_arithmetic3A_27 : i32
      %gt3A = arith.constant 1 : i32
      %gt3A_66 = arith.cmpi sgt, %sub3A, %gt3A : i32
      %convert_element_type3A_67 = arith.extui %gt3A_66 : i1 to i32
      %cond3A_68 = arith.constant 0 : i32
      %cond3A_69 = arith.cmpi ne, %convert_element_type3A_67, %cond3A_68 : i32
      scf.if %cond3A_69 {
        %dma_wait3A_578 = arith.constant 0 : i32
        %dma_wait3A_579 = arith.constant 0 : i32
        %dma_wait3A_580 = tpu.memref_slice %arg9[%dma_wait3A_578, %dma_wait3A_579] : memref<1024x64xf32, #tpu.memory_space<vmem>> -> memref<128x64xf32, #tpu.memory_space<vmem>>
        %dma_wait3A_581 = arith.constant 0 : i32
        %dma_wait3A_582 = arith.constant 0 : i32
        %dma_wait3A_583 = tpu.memref_slice %arg4[%dma_wait3A_581, %dma_wait3A_582] : memref<2000016x64xf32, #tpu.memory_space<hbm>> -> memref<128x64xf32, #tpu.memory_space<hbm>>
        %dma_wait3A_584 = arith.constant 0 : i32
        %dma_wait3A_585 = arith.constant 0 : i32
        %dma_wait3A_586 = tpu.memref_slice %arg9[%dma_wait3A_584, %dma_wait3A_585] : memref<1024x64xf32, #tpu.memory_space<vmem>> -> memref<128x64xf32, #tpu.memory_space<vmem>>
        %dma_wait3A_587 = arith.constant 0 : i32
        %dma_wait3A_588 = arith.constant 0 : i32
        %dma_wait3A_589 = tpu.memref_slice %arg4[%dma_wait3A_587, %dma_wait3A_588] : memref<2000016x64xf32, #tpu.memory_space<hbm>> -> memref<128x64xf32, #tpu.memory_space<hbm>>
        tpu.wait_dma2 semaphore(%arg13 : memref<!tpu.dma_semaphore, #tpu.memory_space<semaphore_mem>>) src(%dma_wait3A_589 : memref<128x64xf32, #tpu.memory_space<hbm>>) dst(%dma_wait3A_586 : memref<128x64xf32, #tpu.memory_space<vmem>>)
        %dma_wait3A_590 = arith.constant 0 : i32
        %dma_wait3A_591 = tpu.memref_slice %arg10[%dma_wait3A_590] : memref<1024xf32, #tpu.memory_space<vmem>> -> memref<128xf32, #tpu.memory_space<vmem>>
        %dma_wait3A_592 = arith.constant 0 : i32
        %dma_wait3A_593 = tpu.memref_slice %arg5[%dma_wait3A_592] : memref<1000064xf32, #tpu.memory_space<hbm>> -> memref<128xf32, #tpu.memory_space<hbm>>
        %dma_wait3A_594 = arith.constant 0 : i32
        %dma_wait3A_595 = tpu.memref_slice %arg10[%dma_wait3A_594] : memref<1024xf32, #tpu.memory_space<vmem>> -> memref<128xf32, #tpu.memory_space<vmem>>
        %dma_wait3A_596 = arith.constant 0 : i32
        %dma_wait3A_597 = tpu.memref_slice %arg5[%dma_wait3A_596] : memref<1000064xf32, #tpu.memory_space<hbm>> -> memref<128xf32, #tpu.memory_space<hbm>>
        tpu.wait_dma2 semaphore(%arg14 : memref<!tpu.dma_semaphore, #tpu.memory_space<semaphore_mem>>) src(%dma_wait3A_597 : memref<128xf32, #tpu.memory_space<hbm>>) dst(%dma_wait3A_595 : memref<128xf32, #tpu.memory_space<vmem>>)
      } else {
      }
      %jit3A = arith.constant 4 : i32
      %eq3A = arith.constant 0 : i32
      %eq3A_70 = arith.cmpi eq, %jit3A, %eq3A : i32
      %jit3A_71 = arith.constant 1 : i32
      %select_n3A = arith.select %eq3A_70, %jit3A_71, %jit3A : i32
      %rem3A = arith.remsi %scan3A_22, %select_n3A : i32
      %ne3A = arith.constant 0 : i32
      %ne3A_72 = arith.cmpi ne, %rem3A, %ne3A : i32
      %lt3A_73 = arith.constant 0 : i32
      %lt3A_74 = arith.cmpi slt, %rem3A, %lt3A_73 : i32
      %lt3A_75 = arith.constant 0 : i32
      %lt3A_76 = arith.cmpi slt, %select_n3A, %lt3A_75 : i32
      %ne3A_77 = arith.xori %lt3A_74, %lt3A_76 : i1
      %and3A = arith.andi %ne3A_77, %ne3A_72 : i1
      %add3A_78 = arith.addi %rem3A, %select_n3A : i32
      %select_n3A_79 = arith.select %and3A, %add3A_78, %rem3A : i32
      %eq3A_80 = arith.constant 0 : i32
      %eq3A_81 = arith.cmpi eq, %select_n3A_79, %eq3A_80 : i32
      %ge3A = arith.constant 4 : i32
      %ge3A_82 = arith.cmpi sge, %scan3A_22, %ge3A : i32
      %and3A_83 = arith.andi %eq3A_81, %ge3A_82 : i1
      %convert_element_type3A_84 = arith.extui %and3A_83 : i1 to i32
      %cond3A_85 = arith.constant 0 : i32
      %cond3A_86 = arith.cmpi ne, %convert_element_type3A_84, %cond3A_85 : i32
      scf.if %cond3A_86 {
        %dma_wait3A_578 = arith.constant 0 : i32
        %dma_wait3A_579 = arith.constant 0 : i32
        %dma_wait3A_580 = tpu.memref_slice %arg6[%dma_wait3A_578, %dma_wait3A_579] : memref<8192x128xf32, #tpu.memory_space<hbm>> -> memref<8x128xf32, #tpu.memory_space<hbm>>
        %dma_wait3A_581 = arith.constant 0 : i32
        %dma_wait3A_582 = arith.constant 0 : i32
        %dma_wait3A_583 = tpu.memref_slice %arg6[%dma_wait3A_581, %dma_wait3A_582] : memref<8192x128xf32, #tpu.memory_space<hbm>> -> memref<8x128xf32, #tpu.memory_space<hbm>>
        tpu.wait_dma2 semaphore(%arg15 : memref<!tpu.dma_semaphore, #tpu.memory_space<semaphore_mem>>) src(%arg12 : memref<8x128xf32, #tpu.memory_space<vmem>>) dst(%dma_wait3A_583 : memref<8x128xf32, #tpu.memory_space<hbm>>)
      } else {
      }
      %jit3A_87 = arith.constant 4 : i32
      %eq3A_88 = arith.constant 0 : i32
      %eq3A_89 = arith.cmpi eq, %jit3A_87, %eq3A_88 : i32
      %jit3A_90 = arith.constant 1 : i32
      %select_n3A_91 = arith.select %eq3A_89, %jit3A_90, %jit3A_87 : i32
      %rem3A_92 = arith.remsi %scan3A_22, %select_n3A_91 : i32
      %ne3A_93 = arith.constant 0 : i32
      %ne3A_94 = arith.cmpi ne, %rem3A_92, %ne3A_93 : i32
      %lt3A_95 = arith.constant 0 : i32
      %lt3A_96 = arith.cmpi slt, %rem3A_92, %lt3A_95 : i32
      %lt3A_97 = arith.constant 0 : i32
      %lt3A_98 = arith.cmpi slt, %select_n3A_91, %lt3A_97 : i32
      %ne3A_99 = arith.xori %lt3A_96, %lt3A_98 : i1
      %and3A_100 = arith.andi %ne3A_99, %ne3A_94 : i1
      %add3A_101 = arith.addi %rem3A_92, %select_n3A_91 : i32
      %select_n3A_102 = arith.select %and3A_100, %add3A_101, %rem3A_92 : i32
      %mul3A_103 = arith.constant 200 : i32
      %mul3A_104 = arith.muli %mul3A_103, %scan3A_22 : i32
      %add3A_105 = arith.constant 0 : i32
      %add3A_106 = arith.addi %mul3A_104, %add3A_105 : i32
      %add3A_107 = vector.broadcast %add3A_106 : i32 to vector<16xi32>
      %add3A_108 = arith.addi %add3A_107, %iota3A : vector<16xi32>
      %jit3A_109 = arith.constant 1024 : i32
      %eq3A_110 = arith.constant 0 : i32
      %eq3A_111 = arith.cmpi eq, %jit3A_109, %eq3A_110 : i32
      %jit3A_112 = arith.constant 1 : i32
      %select_n3A_113 = arith.select %eq3A_111, %jit3A_112, %jit3A_109 : i32
      %rem3A_114 = vector.broadcast %select_n3A_113 : i32 to vector<16xi32>
      %rem3A_115 = arith.remsi %add3A_108, %rem3A_114 : vector<16xi32>
      %ne3A_116 = arith.constant 0 : i32
      %ne3A_117 = vector.broadcast %ne3A_116 : i32 to vector<16xi32>
      %ne3A_118 = arith.cmpi ne, %rem3A_115, %ne3A_117 : vector<16xi32>
      %lt3A_119 = arith.constant 0 : i32
      %lt3A_120 = vector.broadcast %lt3A_119 : i32 to vector<16xi32>
      %lt3A_121 = arith.cmpi slt, %rem3A_115, %lt3A_120 : vector<16xi32>
      %lt3A_122 = arith.constant 0 : i32
      %lt3A_123 = arith.cmpi slt, %select_n3A_113, %lt3A_122 : i32
      %ne3A_124 = vector.broadcast %lt3A_123 : i1 to vector<16xi1>
      %ne3A_125 = vector.broadcast %ne3A_124 : vector<16xi1> to vector<16xi1>
      %ne3A_126 = arith.xori %lt3A_121, %ne3A_125 : vector<16xi1>
      %and3A_127 = arith.andi %ne3A_126, %ne3A_118 : vector<16xi1>
      %add3A_128 = vector.broadcast %select_n3A_113 : i32 to vector<16xi32>
      %add3A_129 = arith.addi %rem3A_115, %add3A_128 : vector<16xi32>
      %select_n3A_130 = arith.select %and3A_127, %add3A_129, %rem3A_115 : vector<16xi1>, vector<16xi32>
      %mul3A_131 = arith.constant 200 : i32
      %mul3A_132 = arith.muli %mul3A_131, %scan3A_22 : i32
      %add3A_133 = arith.constant 16 : i32
      %add3A_134 = arith.addi %mul3A_132, %add3A_133 : i32
      %add3A_135 = vector.broadcast %add3A_134 : i32 to vector<16xi32>
      %add3A_136 = arith.addi %add3A_135, %iota3A : vector<16xi32>
      %jit3A_137 = arith.constant 1024 : i32
      %eq3A_138 = arith.constant 0 : i32
      %eq3A_139 = arith.cmpi eq, %jit3A_137, %eq3A_138 : i32
      %jit3A_140 = arith.constant 1 : i32
      %select_n3A_141 = arith.select %eq3A_139, %jit3A_140, %jit3A_137 : i32
      %rem3A_142 = vector.broadcast %select_n3A_141 : i32 to vector<16xi32>
      %rem3A_143 = arith.remsi %add3A_136, %rem3A_142 : vector<16xi32>
      %ne3A_144 = arith.constant 0 : i32
      %ne3A_145 = vector.broadcast %ne3A_144 : i32 to vector<16xi32>
      %ne3A_146 = arith.cmpi ne, %rem3A_143, %ne3A_145 : vector<16xi32>
      %lt3A_147 = arith.constant 0 : i32
      %lt3A_148 = vector.broadcast %lt3A_147 : i32 to vector<16xi32>
      %lt3A_149 = arith.cmpi slt, %rem3A_143, %lt3A_148 : vector<16xi32>
      %lt3A_150 = arith.constant 0 : i32
      %lt3A_151 = arith.cmpi slt, %select_n3A_141, %lt3A_150 : i32
      %ne3A_152 = vector.broadcast %lt3A_151 : i1 to vector<16xi1>
      %ne3A_153 = vector.broadcast %ne3A_152 : vector<16xi1> to vector<16xi1>
      %ne3A_154 = arith.xori %lt3A_149, %ne3A_153 : vector<16xi1>
      %and3A_155 = arith.andi %ne3A_154, %ne3A_146 : vector<16xi1>
      %add3A_156 = vector.broadcast %select_n3A_141 : i32 to vector<16xi32>
      %add3A_157 = arith.addi %rem3A_143, %add3A_156 : vector<16xi32>
      %select_n3A_158 = arith.select %and3A_155, %add3A_157, %rem3A_143 : vector<16xi1>, vector<16xi32>
      %mul3A_159 = arith.constant 200 : i32
      %mul3A_160 = arith.muli %mul3A_159, %scan3A_22 : i32
      %add3A_161 = arith.constant 32 : i32
      %add3A_162 = arith.addi %mul3A_160, %add3A_161 : i32
      %add3A_163 = vector.broadcast %add3A_162 : i32 to vector<16xi32>
      %add3A_164 = arith.addi %add3A_163, %iota3A : vector<16xi32>
      %jit3A_165 = arith.constant 1024 : i32
      %eq3A_166 = arith.constant 0 : i32
      %eq3A_167 = arith.cmpi eq, %jit3A_165, %eq3A_166 : i32
      %jit3A_168 = arith.constant 1 : i32
      %select_n3A_169 = arith.select %eq3A_167, %jit3A_168, %jit3A_165 : i32
      %rem3A_170 = vector.broadcast %select_n3A_169 : i32 to vector<16xi32>
      %rem3A_171 = arith.remsi %add3A_164, %rem3A_170 : vector<16xi32>
      %ne3A_172 = arith.constant 0 : i32
      %ne3A_173 = vector.broadcast %ne3A_172 : i32 to vector<16xi32>
      %ne3A_174 = arith.cmpi ne, %rem3A_171, %ne3A_173 : vector<16xi32>
      %lt3A_175 = arith.constant 0 : i32
      %lt3A_176 = vector.broadcast %lt3A_175 : i32 to vector<16xi32>
      %lt3A_177 = arith.cmpi slt, %rem3A_171, %lt3A_176 : vector<16xi32>
      %lt3A_178 = arith.constant 0 : i32
      %lt3A_179 = arith.cmpi slt, %select_n3A_169, %lt3A_178 : i32
      %ne3A_180 = vector.broadcast %lt3A_179 : i1 to vector<16xi1>
      %ne3A_181 = vector.broadcast %ne3A_180 : vector<16xi1> to vector<16xi1>
      %ne3A_182 = arith.xori %lt3A_177, %ne3A_181 : vector<16xi1>
      %and3A_183 = arith.andi %ne3A_182, %ne3A_174 : vector<16xi1>
      %add3A_184 = vector.broadcast %select_n3A_169 : i32 to vector<16xi32>
      %add3A_185 = arith.addi %rem3A_171, %add3A_184 : vector<16xi32>
      %select_n3A_186 = arith.select %and3A_183, %add3A_185, %rem3A_171 : vector<16xi1>, vector<16xi32>
      %mul3A_187 = arith.constant 200 : i32
      %mul3A_188 = arith.muli %mul3A_187, %scan3A_22 : i32
      %add3A_189 = arith.constant 48 : i32
      %add3A_190 = arith.addi %mul3A_188, %add3A_189 : i32
      %add3A_191 = vector.broadcast %add3A_190 : i32 to vector<16xi32>
      %add3A_192 = arith.addi %add3A_191, %iota3A : vector<16xi32>
      %jit3A_193 = arith.constant 1024 : i32
      %eq3A_194 = arith.constant 0 : i32
      %eq3A_195 = arith.cmpi eq, %jit3A_193, %eq3A_194 : i32
      %jit3A_196 = arith.constant 1 : i32
      %select_n3A_197 = arith.select %eq3A_195, %jit3A_196, %jit3A_193 : i32
      %rem3A_198 = vector.broadcast %select_n3A_197 : i32 to vector<16xi32>
      %rem3A_199 = arith.remsi %add3A_192, %rem3A_198 : vector<16xi32>
      %ne3A_200 = arith.constant 0 : i32
      %ne3A_201 = vector.broadcast %ne3A_200 : i32 to vector<16xi32>
      %ne3A_202 = arith.cmpi ne, %rem3A_199, %ne3A_201 : vector<16xi32>
      %lt3A_203 = arith.constant 0 : i32
      %lt3A_204 = vector.broadcast %lt3A_203 : i32 to vector<16xi32>
      %lt3A_205 = arith.cmpi slt, %rem3A_199, %lt3A_204 : vector<16xi32>
      %lt3A_206 = arith.constant 0 : i32
      %lt3A_207 = arith.cmpi slt, %select_n3A_197, %lt3A_206 : i32
      %ne3A_208 = vector.broadcast %lt3A_207 : i1 to vector<16xi1>
      %ne3A_209 = vector.broadcast %ne3A_208 : vector<16xi1> to vector<16xi1>
      %ne3A_210 = arith.xori %lt3A_205, %ne3A_209 : vector<16xi1>
      %and3A_211 = arith.andi %ne3A_210, %ne3A_202 : vector<16xi1>
      %add3A_212 = vector.broadcast %select_n3A_197 : i32 to vector<16xi32>
      %add3A_213 = arith.addi %rem3A_199, %add3A_212 : vector<16xi32>
      %select_n3A_214 = arith.select %and3A_211, %add3A_213, %rem3A_199 : vector<16xi1>, vector<16xi32>
      %mul3A_215 = arith.constant 200 : i32
      %mul3A_216 = arith.muli %mul3A_215, %scan3A_22 : i32
      %add3A_217 = arith.constant 64 : i32
      %add3A_218 = arith.addi %mul3A_216, %add3A_217 : i32
      %add3A_219 = vector.broadcast %add3A_218 : i32 to vector<16xi32>
      %add3A_220 = arith.addi %add3A_219, %iota3A : vector<16xi32>
      %jit3A_221 = arith.constant 1024 : i32
      %eq3A_222 = arith.constant 0 : i32
      %eq3A_223 = arith.cmpi eq, %jit3A_221, %eq3A_222 : i32
      %jit3A_224 = arith.constant 1 : i32
      %select_n3A_225 = arith.select %eq3A_223, %jit3A_224, %jit3A_221 : i32
      %rem3A_226 = vector.broadcast %select_n3A_225 : i32 to vector<16xi32>
      %rem3A_227 = arith.remsi %add3A_220, %rem3A_226 : vector<16xi32>
      %ne3A_228 = arith.constant 0 : i32
      %ne3A_229 = vector.broadcast %ne3A_228 : i32 to vector<16xi32>
      %ne3A_230 = arith.cmpi ne, %rem3A_227, %ne3A_229 : vector<16xi32>
      %lt3A_231 = arith.constant 0 : i32
      %lt3A_232 = vector.broadcast %lt3A_231 : i32 to vector<16xi32>
      %lt3A_233 = arith.cmpi slt, %rem3A_227, %lt3A_232 : vector<16xi32>
      %lt3A_234 = arith.constant 0 : i32
      %lt3A_235 = arith.cmpi slt, %select_n3A_225, %lt3A_234 : i32
      %ne3A_236 = vector.broadcast %lt3A_235 : i1 to vector<16xi1>
      %ne3A_237 = vector.broadcast %ne3A_236 : vector<16xi1> to vector<16xi1>
      %ne3A_238 = arith.xori %lt3A_233, %ne3A_237 : vector<16xi1>
      %and3A_239 = arith.andi %ne3A_238, %ne3A_230 : vector<16xi1>
      %add3A_240 = vector.broadcast %select_n3A_225 : i32 to vector<16xi32>
      %add3A_241 = arith.addi %rem3A_227, %add3A_240 : vector<16xi32>
      %select_n3A_242 = arith.select %and3A_239, %add3A_241, %rem3A_227 : vector<16xi1>, vector<16xi32>
      %mul3A_243 = arith.constant 200 : i32
      %mul3A_244 = arith.muli %mul3A_243, %scan3A_22 : i32
      %add3A_245 = arith.constant 80 : i32
      %add3A_246 = arith.addi %mul3A_244, %add3A_245 : i32
      %add3A_247 = vector.broadcast %add3A_246 : i32 to vector<16xi32>
      %add3A_248 = arith.addi %add3A_247, %iota3A : vector<16xi32>
      %jit3A_249 = arith.constant 1024 : i32
      %eq3A_250 = arith.constant 0 : i32
      %eq3A_251 = arith.cmpi eq, %jit3A_249, %eq3A_250 : i32
      %jit3A_252 = arith.constant 1 : i32
      %select_n3A_253 = arith.select %eq3A_251, %jit3A_252, %jit3A_249 : i32
      %rem3A_254 = vector.broadcast %select_n3A_253 : i32 to vector<16xi32>
      %rem3A_255 = arith.remsi %add3A_248, %rem3A_254 : vector<16xi32>
      %ne3A_256 = arith.constant 0 : i32
      %ne3A_257 = vector.broadcast %ne3A_256 : i32 to vector<16xi32>
      %ne3A_258 = arith.cmpi ne, %rem3A_255, %ne3A_257 : vector<16xi32>
      %lt3A_259 = arith.constant 0 : i32
      %lt3A_260 = vector.broadcast %lt3A_259 : i32 to vector<16xi32>
      %lt3A_261 = arith.cmpi slt, %rem3A_255, %lt3A_260 : vector<16xi32>
      %lt3A_262 = arith.constant 0 : i32
      %lt3A_263 = arith.cmpi slt, %select_n3A_253, %lt3A_262 : i32
      %ne3A_264 = vector.broadcast %lt3A_263 : i1 to vector<16xi1>
      %ne3A_265 = vector.broadcast %ne3A_264 : vector<16xi1> to vector<16xi1>
      %ne3A_266 = arith.xori %lt3A_261, %ne3A_265 : vector<16xi1>
      %and3A_267 = arith.andi %ne3A_266, %ne3A_258 : vector<16xi1>
      %add3A_268 = vector.broadcast %select_n3A_253 : i32 to vector<16xi32>
      %add3A_269 = arith.addi %rem3A_255, %add3A_268 : vector<16xi32>
      %select_n3A_270 = arith.select %and3A_267, %add3A_269, %rem3A_255 : vector<16xi1>, vector<16xi32>
      %mul3A_271 = arith.constant 200 : i32
      %mul3A_272 = arith.muli %mul3A_271, %scan3A_22 : i32
      %add3A_273 = arith.constant 96 : i32
      %add3A_274 = arith.addi %mul3A_272, %add3A_273 : i32
      %add3A_275 = vector.broadcast %add3A_274 : i32 to vector<16xi32>
      %add3A_276 = arith.addi %add3A_275, %iota3A : vector<16xi32>
      %jit3A_277 = arith.constant 1024 : i32
      %eq3A_278 = arith.constant 0 : i32
      %eq3A_279 = arith.cmpi eq, %jit3A_277, %eq3A_278 : i32
      %jit3A_280 = arith.constant 1 : i32
      %select_n3A_281 = arith.select %eq3A_279, %jit3A_280, %jit3A_277 : i32
      %rem3A_282 = vector.broadcast %select_n3A_281 : i32 to vector<16xi32>
      %rem3A_283 = arith.remsi %add3A_276, %rem3A_282 : vector<16xi32>
      %ne3A_284 = arith.constant 0 : i32
      %ne3A_285 = vector.broadcast %ne3A_284 : i32 to vector<16xi32>
      %ne3A_286 = arith.cmpi ne, %rem3A_283, %ne3A_285 : vector<16xi32>
      %lt3A_287 = arith.constant 0 : i32
      %lt3A_288 = vector.broadcast %lt3A_287 : i32 to vector<16xi32>
      %lt3A_289 = arith.cmpi slt, %rem3A_283, %lt3A_288 : vector<16xi32>
      %lt3A_290 = arith.constant 0 : i32
      %lt3A_291 = arith.cmpi slt, %select_n3A_281, %lt3A_290 : i32
      %ne3A_292 = vector.broadcast %lt3A_291 : i1 to vector<16xi1>
      %ne3A_293 = vector.broadcast %ne3A_292 : vector<16xi1> to vector<16xi1>
      %ne3A_294 = arith.xori %lt3A_289, %ne3A_293 : vector<16xi1>
      %and3A_295 = arith.andi %ne3A_294, %ne3A_286 : vector<16xi1>
      %add3A_296 = vector.broadcast %select_n3A_281 : i32 to vector<16xi32>
      %add3A_297 = arith.addi %rem3A_283, %add3A_296 : vector<16xi32>
      %select_n3A_298 = arith.select %and3A_295, %add3A_297, %rem3A_283 : vector<16xi1>, vector<16xi32>
      %mul3A_299 = arith.constant 200 : i32
      %mul3A_300 = arith.muli %mul3A_299, %scan3A_22 : i32
      %add3A_301 = arith.constant 112 : i32
      %add3A_302 = arith.addi %mul3A_300, %add3A_301 : i32
      %add3A_303 = vector.broadcast %add3A_302 : i32 to vector<16xi32>
      %add3A_304 = arith.addi %add3A_303, %iota3A : vector<16xi32>
      %jit3A_305 = arith.constant 1024 : i32
      %eq3A_306 = arith.constant 0 : i32
      %eq3A_307 = arith.cmpi eq, %jit3A_305, %eq3A_306 : i32
      %jit3A_308 = arith.constant 1 : i32
      %select_n3A_309 = arith.select %eq3A_307, %jit3A_308, %jit3A_305 : i32
      %rem3A_310 = vector.broadcast %select_n3A_309 : i32 to vector<16xi32>
      %rem3A_311 = arith.remsi %add3A_304, %rem3A_310 : vector<16xi32>
      %ne3A_312 = arith.constant 0 : i32
      %ne3A_313 = vector.broadcast %ne3A_312 : i32 to vector<16xi32>
      %ne3A_314 = arith.cmpi ne, %rem3A_311, %ne3A_313 : vector<16xi32>
      %lt3A_315 = arith.constant 0 : i32
      %lt3A_316 = vector.broadcast %lt3A_315 : i32 to vector<16xi32>
      %lt3A_317 = arith.cmpi slt, %rem3A_311, %lt3A_316 : vector<16xi32>
      %lt3A_318 = arith.constant 0 : i32
      %lt3A_319 = arith.cmpi slt, %select_n3A_309, %lt3A_318 : i32
      %ne3A_320 = vector.broadcast %lt3A_319 : i1 to vector<16xi1>
      %ne3A_321 = vector.broadcast %ne3A_320 : vector<16xi1> to vector<16xi1>
      %ne3A_322 = arith.xori %lt3A_317, %ne3A_321 : vector<16xi1>
      %and3A_323 = arith.andi %ne3A_322, %ne3A_314 : vector<16xi1>
      %add3A_324 = vector.broadcast %select_n3A_309 : i32 to vector<16xi32>
      %add3A_325 = arith.addi %rem3A_311, %add3A_324 : vector<16xi32>
      %select_n3A_326 = arith.select %and3A_323, %add3A_325, %rem3A_311 : vector<16xi1>, vector<16xi32>
      %mul3A_327 = arith.constant 200 : i32
      %mul3A_328 = arith.muli %mul3A_327, %scan3A_22 : i32
      %add3A_329 = arith.constant 128 : i32
      %add3A_330 = arith.addi %mul3A_328, %add3A_329 : i32
      %add3A_331 = vector.broadcast %add3A_330 : i32 to vector<16xi32>
      %add3A_332 = arith.addi %add3A_331, %iota3A : vector<16xi32>
      %jit3A_333 = arith.constant 1024 : i32
      %eq3A_334 = arith.constant 0 : i32
      %eq3A_335 = arith.cmpi eq, %jit3A_333, %eq3A_334 : i32
      %jit3A_336 = arith.constant 1 : i32
      %select_n3A_337 = arith.select %eq3A_335, %jit3A_336, %jit3A_333 : i32
      %rem3A_338 = vector.broadcast %select_n3A_337 : i32 to vector<16xi32>
      %rem3A_339 = arith.remsi %add3A_332, %rem3A_338 : vector<16xi32>
      %ne3A_340 = arith.constant 0 : i32
      %ne3A_341 = vector.broadcast %ne3A_340 : i32 to vector<16xi32>
      %ne3A_342 = arith.cmpi ne, %rem3A_339, %ne3A_341 : vector<16xi32>
      %lt3A_343 = arith.constant 0 : i32
      %lt3A_344 = vector.broadcast %lt3A_343 : i32 to vector<16xi32>
      %lt3A_345 = arith.cmpi slt, %rem3A_339, %lt3A_344 : vector<16xi32>
      %lt3A_346 = arith.constant 0 : i32
      %lt3A_347 = arith.cmpi slt, %select_n3A_337, %lt3A_346 : i32
      %ne3A_348 = vector.broadcast %lt3A_347 : i1 to vector<16xi1>
      %ne3A_349 = vector.broadcast %ne3A_348 : vector<16xi1> to vector<16xi1>
      %ne3A_350 = arith.xori %lt3A_345, %ne3A_349 : vector<16xi1>
      %and3A_351 = arith.andi %ne3A_350, %ne3A_342 : vector<16xi1>
      %add3A_352 = vector.broadcast %select_n3A_337 : i32 to vector<16xi32>
      %add3A_353 = arith.addi %rem3A_339, %add3A_352 : vector<16xi32>
      %select_n3A_354 = arith.select %and3A_351, %add3A_353, %rem3A_339 : vector<16xi1>, vector<16xi32>
      %mul3A_355 = arith.constant 200 : i32
      %mul3A_356 = arith.muli %mul3A_355, %scan3A_22 : i32
      %add3A_357 = arith.constant 144 : i32
      %add3A_358 = arith.addi %mul3A_356, %add3A_357 : i32
      %add3A_359 = vector.broadcast %add3A_358 : i32 to vector<16xi32>
      %add3A_360 = arith.addi %add3A_359, %iota3A : vector<16xi32>
      %jit3A_361 = arith.constant 1024 : i32
      %eq3A_362 = arith.constant 0 : i32
      %eq3A_363 = arith.cmpi eq, %jit3A_361, %eq3A_362 : i32
      %jit3A_364 = arith.constant 1 : i32
      %select_n3A_365 = arith.select %eq3A_363, %jit3A_364, %jit3A_361 : i32
      %rem3A_366 = vector.broadcast %select_n3A_365 : i32 to vector<16xi32>
      %rem3A_367 = arith.remsi %add3A_360, %rem3A_366 : vector<16xi32>
      %ne3A_368 = arith.constant 0 : i32
      %ne3A_369 = vector.broadcast %ne3A_368 : i32 to vector<16xi32>
      %ne3A_370 = arith.cmpi ne, %rem3A_367, %ne3A_369 : vector<16xi32>
      %lt3A_371 = arith.constant 0 : i32
      %lt3A_372 = vector.broadcast %lt3A_371 : i32 to vector<16xi32>
      %lt3A_373 = arith.cmpi slt, %rem3A_367, %lt3A_372 : vector<16xi32>
      %lt3A_374 = arith.constant 0 : i32
      %lt3A_375 = arith.cmpi slt, %select_n3A_365, %lt3A_374 : i32
      %ne3A_376 = vector.broadcast %lt3A_375 : i1 to vector<16xi1>
      %ne3A_377 = vector.broadcast %ne3A_376 : vector<16xi1> to vector<16xi1>
      %ne3A_378 = arith.xori %lt3A_373, %ne3A_377 : vector<16xi1>
      %and3A_379 = arith.andi %ne3A_378, %ne3A_370 : vector<16xi1>
      %add3A_380 = vector.broadcast %select_n3A_365 : i32 to vector<16xi32>
      %add3A_381 = arith.addi %rem3A_367, %add3A_380 : vector<16xi32>
      %select_n3A_382 = arith.select %and3A_379, %add3A_381, %rem3A_367 : vector<16xi1>, vector<16xi32>
      %mul3A_383 = arith.constant 200 : i32
      %mul3A_384 = arith.muli %mul3A_383, %scan3A_22 : i32
      %add3A_385 = arith.constant 160 : i32
      %add3A_386 = arith.addi %mul3A_384, %add3A_385 : i32
      %add3A_387 = vector.broadcast %add3A_386 : i32 to vector<16xi32>
      %add3A_388 = arith.addi %add3A_387, %iota3A : vector<16xi32>
      %jit3A_389 = arith.constant 1024 : i32
      %eq3A_390 = arith.constant 0 : i32
      %eq3A_391 = arith.cmpi eq, %jit3A_389, %eq3A_390 : i32
      %jit3A_392 = arith.constant 1 : i32
      %select_n3A_393 = arith.select %eq3A_391, %jit3A_392, %jit3A_389 : i32
      %rem3A_394 = vector.broadcast %select_n3A_393 : i32 to vector<16xi32>
      %rem3A_395 = arith.remsi %add3A_388, %rem3A_394 : vector<16xi32>
      %ne3A_396 = arith.constant 0 : i32
      %ne3A_397 = vector.broadcast %ne3A_396 : i32 to vector<16xi32>
      %ne3A_398 = arith.cmpi ne, %rem3A_395, %ne3A_397 : vector<16xi32>
      %lt3A_399 = arith.constant 0 : i32
      %lt3A_400 = vector.broadcast %lt3A_399 : i32 to vector<16xi32>
      %lt3A_401 = arith.cmpi slt, %rem3A_395, %lt3A_400 : vector<16xi32>
      %lt3A_402 = arith.constant 0 : i32
      %lt3A_403 = arith.cmpi slt, %select_n3A_393, %lt3A_402 : i32
      %ne3A_404 = vector.broadcast %lt3A_403 : i1 to vector<16xi1>
      %ne3A_405 = vector.broadcast %ne3A_404 : vector<16xi1> to vector<16xi1>
      %ne3A_406 = arith.xori %lt3A_401, %ne3A_405 : vector<16xi1>
      %and3A_407 = arith.andi %ne3A_406, %ne3A_398 : vector<16xi1>
      %add3A_408 = vector.broadcast %select_n3A_393 : i32 to vector<16xi32>
      %add3A_409 = arith.addi %rem3A_395, %add3A_408 : vector<16xi32>
      %select_n3A_410 = arith.select %and3A_407, %add3A_409, %rem3A_395 : vector<16xi1>, vector<16xi32>
      %mul3A_411 = arith.constant 200 : i32
      %mul3A_412 = arith.muli %mul3A_411, %scan3A_22 : i32
      %add3A_413 = arith.constant 176 : i32
      %add3A_414 = arith.addi %mul3A_412, %add3A_413 : i32
      %add3A_415 = vector.broadcast %add3A_414 : i32 to vector<16xi32>
      %add3A_416 = arith.addi %add3A_415, %iota3A : vector<16xi32>
      %jit3A_417 = arith.constant 1024 : i32
      %eq3A_418 = arith.constant 0 : i32
      %eq3A_419 = arith.cmpi eq, %jit3A_417, %eq3A_418 : i32
      %jit3A_420 = arith.constant 1 : i32
      %select_n3A_421 = arith.select %eq3A_419, %jit3A_420, %jit3A_417 : i32
      %rem3A_422 = vector.broadcast %select_n3A_421 : i32 to vector<16xi32>
      %rem3A_423 = arith.remsi %add3A_416, %rem3A_422 : vector<16xi32>
      %ne3A_424 = arith.constant 0 : i32
      %ne3A_425 = vector.broadcast %ne3A_424 : i32 to vector<16xi32>
      %ne3A_426 = arith.cmpi ne, %rem3A_423, %ne3A_425 : vector<16xi32>
      %lt3A_427 = arith.constant 0 : i32
      %lt3A_428 = vector.broadcast %lt3A_427 : i32 to vector<16xi32>
      %lt3A_429 = arith.cmpi slt, %rem3A_423, %lt3A_428 : vector<16xi32>
      %lt3A_430 = arith.constant 0 : i32
      %lt3A_431 = arith.cmpi slt, %select_n3A_421, %lt3A_430 : i32
      %ne3A_432 = vector.broadcast %lt3A_431 : i1 to vector<16xi1>
      %ne3A_433 = vector.broadcast %ne3A_432 : vector<16xi1> to vector<16xi1>
      %ne3A_434 = arith.xori %lt3A_429, %ne3A_433 : vector<16xi1>
      %and3A_435 = arith.andi %ne3A_434, %ne3A_426 : vector<16xi1>
      %add3A_436 = vector.broadcast %select_n3A_421 : i32 to vector<16xi32>
      %add3A_437 = arith.addi %rem3A_423, %add3A_436 : vector<16xi32>
      %select_n3A_438 = arith.select %and3A_435, %add3A_437, %rem3A_423 : vector<16xi1>, vector<16xi32>
      %mul3A_439 = arith.constant 200 : i32
      %mul3A_440 = arith.muli %mul3A_439, %scan3A_22 : i32
      %add3A_441 = arith.constant 192 : i32
      %add3A_442 = arith.addi %mul3A_440, %add3A_441 : i32
      %add3A_443 = vector.broadcast %add3A_442 : i32 to vector<16xi32>
      %add3A_444 = arith.addi %add3A_443, %iota3A : vector<16xi32>
      %jit3A_445 = arith.constant 1024 : i32
      %eq3A_446 = arith.constant 0 : i32
      %eq3A_447 = arith.cmpi eq, %jit3A_445, %eq3A_446 : i32
      %jit3A_448 = arith.constant 1 : i32
      %select_n3A_449 = arith.select %eq3A_447, %jit3A_448, %jit3A_445 : i32
      %rem3A_450 = vector.broadcast %select_n3A_449 : i32 to vector<16xi32>
      %rem3A_451 = arith.remsi %add3A_444, %rem3A_450 : vector<16xi32>
      %ne3A_452 = arith.constant 0 : i32
      %ne3A_453 = vector.broadcast %ne3A_452 : i32 to vector<16xi32>
      %ne3A_454 = arith.cmpi ne, %rem3A_451, %ne3A_453 : vector<16xi32>
      %lt3A_455 = arith.constant 0 : i32
      %lt3A_456 = vector.broadcast %lt3A_455 : i32 to vector<16xi32>
      %lt3A_457 = arith.cmpi slt, %rem3A_451, %lt3A_456 : vector<16xi32>
      %lt3A_458 = arith.constant 0 : i32
      %lt3A_459 = arith.cmpi slt, %select_n3A_449, %lt3A_458 : i32
      %ne3A_460 = vector.broadcast %lt3A_459 : i1 to vector<16xi1>
      %ne3A_461 = vector.broadcast %ne3A_460 : vector<16xi1> to vector<16xi1>
      %ne3A_462 = arith.xori %lt3A_457, %ne3A_461 : vector<16xi1>
      %and3A_463 = arith.andi %ne3A_462, %ne3A_454 : vector<16xi1>
      %add3A_464 = vector.broadcast %select_n3A_449 : i32 to vector<16xi32>
      %add3A_465 = arith.addi %rem3A_451, %add3A_464 : vector<16xi32>
      %select_n3A_466 = arith.select %and3A_463, %add3A_465, %rem3A_451 : vector<16xi1>, vector<16xi32>
      %gather3A = tpu.vector_load_idx %arg10[%select_n3A_130] : memref<1024xf32, #tpu.memory_space<vmem>>[vector<16xi32>], vector<16xf32>,
      %gather3A_467 = tpu.vector_load_idx %arg10[%select_n3A_158] : memref<1024xf32, #tpu.memory_space<vmem>>[vector<16xi32>], vector<16xf32>,
      %gather3A_468 = tpu.vector_load_idx %arg10[%select_n3A_186] : memref<1024xf32, #tpu.memory_space<vmem>>[vector<16xi32>], vector<16xf32>,
      %gather3A_469 = tpu.vector_load_idx %arg10[%select_n3A_214] : memref<1024xf32, #tpu.memory_space<vmem>>[vector<16xi32>], vector<16xf32>,
      %gather3A_470 = tpu.vector_load_idx %arg10[%select_n3A_242] : memref<1024xf32, #tpu.memory_space<vmem>>[vector<16xi32>], vector<16xf32>,
      %gather3A_471 = tpu.vector_load_idx %arg10[%select_n3A_270] : memref<1024xf32, #tpu.memory_space<vmem>>[vector<16xi32>], vector<16xf32>,
      %gather3A_472 = tpu.vector_load_idx %arg10[%select_n3A_298] : memref<1024xf32, #tpu.memory_space<vmem>>[vector<16xi32>], vector<16xf32>,
      %gather3A_473 = tpu.vector_load_idx %arg10[%select_n3A_326] : memref<1024xf32, #tpu.memory_space<vmem>>[vector<16xi32>], vector<16xf32>,
      %gather3A_474 = tpu.vector_load_idx %arg10[%select_n3A_354] : memref<1024xf32, #tpu.memory_space<vmem>>[vector<16xi32>], vector<16xf32>,
      %gather3A_475 = tpu.vector_load_idx %arg10[%select_n3A_382] : memref<1024xf32, #tpu.memory_space<vmem>>[vector<16xi32>], vector<16xf32>,
      %gather3A_476 = tpu.vector_load_idx %arg10[%select_n3A_410] : memref<1024xf32, #tpu.memory_space<vmem>>[vector<16xi32>], vector<16xf32>,
      %gather3A_477 = tpu.vector_load_idx %arg10[%select_n3A_438] : memref<1024xf32, #tpu.memory_space<vmem>>[vector<16xi32>], vector<16xf32>,
      %gather3A_478 = tpu.vector_load_idx %arg10[%select_n3A_466] : memref<1024xf32, #tpu.memory_space<vmem>>[vector<16xi32>], vector<16xf32>,
      %add3A_479 = vector.broadcast %scan3A_22 : i32 to vector<16xi32>
      %add3A_480 = arith.addi %broadcast_in_dim3A_3, %add3A_479 : vector<16xi32>
      %scan3A_481 = arith.constant 0 : i32
      %scan3A_482 = arith.constant 64 : i32
      %scan3A_483 = arith.addi %scan3A_481, %scan3A_482 : i32
      %scan3A_484 = arith.constant 1 : i32
      %scan3A_485:13 = scf.for %scan3A_578 = %scan3A_481 to %scan3A_483 step %scan3A_484 iter_args(%scan3A_579 = %gather3A, %scan3A_580 = %gather3A_467, %scan3A_581 = %gather3A_468, %scan3A_582 = %gather3A_469, %scan3A_583 = %gather3A_470, %scan3A_584 = %gather3A_471, %scan3A_585 = %gather3A_472, %scan3A_586 = %gather3A_473, %scan3A_587 = %gather3A_474, %scan3A_588 = %gather3A_475, %scan3A_589 = %gather3A_476, %scan3A_590 = %gather3A_477, %scan3A_591 = %gather3A_478) -> (vector<16xf32>, vector<16xf32>, vector<16xf32>, vector<16xf32>, vector<16xf32>, vector<16xf32>, vector<16xf32>, vector<16xf32>, vector<16xf32>, vector<16xf32>, vector<16xf32>, vector<16xf32>, vector<16xf32>)  : i32 {
        %add3A_592 = vector.broadcast %scan3A_578 : i32 to vector<16xi32>
        %add3A_593 = arith.addi %add3A_592, %iota3A : vector<16xi32>
        %and3A_594 = arith.constant 63 : i32
        %and3A_595 = vector.broadcast %and3A_594 : i32 to vector<16xi32>
        %and3A_596 = arith.andi %add3A_593, %and3A_595 : vector<16xi32>
        %gather3A_597 = tpu.vector_load_idx %arg8[%add3A_480, %and3A_596] : memref<128x64xf32, #tpu.memory_space<vmem>>[vector<16xi32>, vector<16xi32>], vector<16xf32>,
        %gather3A_598 = tpu.vector_load_idx %arg9[%select_n3A_130, %and3A_596] : memref<1024x64xf32, #tpu.memory_space<vmem>>[vector<16xi32>, vector<16xi32>], vector<16xf32>,
        %mul3A_599 = arith.mulf %gather3A_598, %gather3A_597 : vector<16xf32>
        %add3A_600 = arith.addf %scan3A_579, %mul3A_599 : vector<16xf32>
        %gather3A_601 = tpu.vector_load_idx %arg9[%select_n3A_158, %and3A_596] : memref<1024x64xf32, #tpu.memory_space<vmem>>[vector<16xi32>, vector<16xi32>], vector<16xf32>,
        %mul3A_602 = arith.mulf %gather3A_601, %gather3A_597 : vector<16xf32>
        %add3A_603 = arith.addf %scan3A_580, %mul3A_602 : vector<16xf32>
        %gather3A_604 = tpu.vector_load_idx %arg9[%select_n3A_186, %and3A_596] : memref<1024x64xf32, #tpu.memory_space<vmem>>[vector<16xi32>, vector<16xi32>], vector<16xf32>,
        %mul3A_605 = arith.mulf %gather3A_604, %gather3A_597 : vector<16xf32>
        %add3A_606 = arith.addf %scan3A_581, %mul3A_605 : vector<16xf32>
        %gather3A_607 = tpu.vector_load_idx %arg9[%select_n3A_214, %and3A_596] : memref<1024x64xf32, #tpu.memory_space<vmem>>[vector<16xi32>, vector<16xi32>], vector<16xf32>,
        %mul3A_608 = arith.mulf %gather3A_607, %gather3A_597 : vector<16xf32>
        %add3A_609 = arith.addf %scan3A_582, %mul3A_608 : vector<16xf32>
        %gather3A_610 = tpu.vector_load_idx %arg9[%select_n3A_242, %and3A_596] : memref<1024x64xf32, #tpu.memory_space<vmem>>[vector<16xi32>, vector<16xi32>], vector<16xf32>,
        %mul3A_611 = arith.mulf %gather3A_610, %gather3A_597 : vector<16xf32>
        %add3A_612 = arith.addf %scan3A_583, %mul3A_611 : vector<16xf32>
        %gather3A_613 = tpu.vector_load_idx %arg9[%select_n3A_270, %and3A_596] : memref<1024x64xf32, #tpu.memory_space<vmem>>[vector<16xi32>, vector<16xi32>], vector<16xf32>,
        %mul3A_614 = arith.mulf %gather3A_613, %gather3A_597 : vector<16xf32>
        %add3A_615 = arith.addf %scan3A_584, %mul3A_614 : vector<16xf32>
        %gather3A_616 = tpu.vector_load_idx %arg9[%select_n3A_298, %and3A_596] : memref<1024x64xf32, #tpu.memory_space<vmem>>[vector<16xi32>, vector<16xi32>], vector<16xf32>,
        %mul3A_617 = arith.mulf %gather3A_616, %gather3A_597 : vector<16xf32>
        %add3A_618 = arith.addf %scan3A_585, %mul3A_617 : vector<16xf32>
        %gather3A_619 = tpu.vector_load_idx %arg9[%select_n3A_326, %and3A_596] : memref<1024x64xf32, #tpu.memory_space<vmem>>[vector<16xi32>, vector<16xi32>], vector<16xf32>,
        %mul3A_620 = arith.mulf %gather3A_619, %gather3A_597 : vector<16xf32>
        %add3A_621 = arith.addf %scan3A_586, %mul3A_620 : vector<16xf32>
        %gather3A_622 = tpu.vector_load_idx %arg9[%select_n3A_354, %and3A_596] : memref<1024x64xf32, #tpu.memory_space<vmem>>[vector<16xi32>, vector<16xi32>], vector<16xf32>,
        %mul3A_623 = arith.mulf %gather3A_622, %gather3A_597 : vector<16xf32>
        %add3A_624 = arith.addf %scan3A_587, %mul3A_623 : vector<16xf32>
        %gather3A_625 = tpu.vector_load_idx %arg9[%select_n3A_382, %and3A_596] : memref<1024x64xf32, #tpu.memory_space<vmem>>[vector<16xi32>, vector<16xi32>], vector<16xf32>,
        %mul3A_626 = arith.mulf %gather3A_625, %gather3A_597 : vector<16xf32>
        %add3A_627 = arith.addf %scan3A_588, %mul3A_626 : vector<16xf32>
        %gather3A_628 = tpu.vector_load_idx %arg9[%select_n3A_410, %and3A_596] : memref<1024x64xf32, #tpu.memory_space<vmem>>[vector<16xi32>, vector<16xi32>], vector<16xf32>,
        %mul3A_629 = arith.mulf %gather3A_628, %gather3A_597 : vector<16xf32>
        %add3A_630 = arith.addf %scan3A_589, %mul3A_629 : vector<16xf32>
        %gather3A_631 = tpu.vector_load_idx %arg9[%select_n3A_438, %and3A_596] : memref<1024x64xf32, #tpu.memory_space<vmem>>[vector<16xi32>, vector<16xi32>], vector<16xf32>,
        %mul3A_632 = arith.mulf %gather3A_631, %gather3A_597 : vector<16xf32>
        %add3A_633 = arith.addf %scan3A_590, %mul3A_632 : vector<16xf32>
        %gather3A_634 = tpu.vector_load_idx %arg9[%select_n3A_466, %and3A_596] : memref<1024x64xf32, #tpu.memory_space<vmem>>[vector<16xi32>, vector<16xi32>], vector<16xf32>,
        %mul3A_635 = arith.mulf %gather3A_634, %gather3A_597 : vector<16xf32>
        %add3A_636 = arith.addf %scan3A_591, %mul3A_635 : vector<16xf32>
        scf.yield %add3A_600, %add3A_603, %add3A_606, %add3A_609, %add3A_612, %add3A_615, %add3A_618, %add3A_621, %add3A_624, %add3A_627, %add3A_630, %add3A_633, %add3A_636 : vector<16xf32>, vector<16xf32>, vector<16xf32>, vector<16xf32>, vector<16xf32>, vector<16xf32>, vector<16xf32>, vector<16xf32>, vector<16xf32>, vector<16xf32>, vector<16xf32>, vector<16xf32>, vector<16xf32>
      }
      %scan3A_486 = arith.constant 64 : i32
      %mul3A_487 = arith.constant 2 : i32
      %mul3A_488 = arith.muli %mul3A_487, %select_n3A_102 : i32
      %mul3A_489 = arith.constant 2 : i32
      %mul3A_490 = arith.muli %mul3A_489, %select_n3A_102 : i32
      %add3A_491 = arith.constant 1 : i32
      %add3A_492 = arith.addi %mul3A_490, %add3A_491 : i32
      %swap3A = arith.constant 0 : i32
      %swap3A_493 = tpu.memref_slice %arg12[%mul3A_488, %swap3A] : memref<8x128xf32, #tpu.memory_space<vmem>> -> memref<1x128xf32, #tpu.memory_space<vmem>>
      %swap3A_494 = tpu.memref_squeeze %swap3A_493 : memref<1x128xf32, #tpu.memory_space<vmem>> -> memref<128xf32, #tpu.memory_space<vmem>>
      %swap3A_495 = arith.constant 0 : index
      %swap3A_496 = tpu.vector_load %swap3A_494[%swap3A_495] {strides = array<i32>} : memref<128xf32, #tpu.memory_space<vmem>>, vector<16xf32>,
      tpu.vector_store %swap3A_494[%swap3A_495], %scan3A_485#0 {strides = array<i32>} : memref<128xf32, #tpu.memory_space<vmem>>, vector<16xf32>,
      %swap3A_497 = arith.constant 0 : i32
      %swap3A_498 = tpu.memref_slice %arg12[%mul3A_488, %swap3A_497] : memref<8x128xf32, #tpu.memory_space<vmem>> -> memref<1x128xf32, #tpu.memory_space<vmem>>
      %swap3A_499 = tpu.memref_squeeze %swap3A_498 : memref<1x128xf32, #tpu.memory_space<vmem>> -> memref<128xf32, #tpu.memory_space<vmem>>
      %swap3A_500 = arith.constant 16 : index
      %swap3A_501 = tpu.vector_load %swap3A_499[%swap3A_500] {strides = array<i32>} : memref<128xf32, #tpu.memory_space<vmem>>, vector<16xf32>,
      tpu.vector_store %swap3A_499[%swap3A_500], %scan3A_485#1 {strides = array<i32>} : memref<128xf32, #tpu.memory_space<vmem>>, vector<16xf32>,
      %swap3A_502 = arith.constant 0 : i32
      %swap3A_503 = tpu.memref_slice %arg12[%mul3A_488, %swap3A_502] : memref<8x128xf32, #tpu.memory_space<vmem>> -> memref<1x128xf32, #tpu.memory_space<vmem>>
      %swap3A_504 = tpu.memref_squeeze %swap3A_503 : memref<1x128xf32, #tpu.memory_space<vmem>> -> memref<128xf32, #tpu.memory_space<vmem>>
      %swap3A_505 = arith.constant 32 : index
      %swap3A_506 = tpu.vector_load %swap3A_504[%swap3A_505] {strides = array<i32>} : memref<128xf32, #tpu.memory_space<vmem>>, vector<16xf32>,
      tpu.vector_store %swap3A_504[%swap3A_505], %scan3A_485#2 {strides = array<i32>} : memref<128xf32, #tpu.memory_space<vmem>>, vector<16xf32>,
      %swap3A_507 = arith.constant 0 : i32
      %swap3A_508 = tpu.memref_slice %arg12[%mul3A_488, %swap3A_507] : memref<8x128xf32, #tpu.memory_space<vmem>> -> memref<1x128xf32, #tpu.memory_space<vmem>>
      %swap3A_509 = tpu.memref_squeeze %swap3A_508 : memref<1x128xf32, #tpu.memory_space<vmem>> -> memref<128xf32, #tpu.memory_space<vmem>>
      %swap3A_510 = arith.constant 48 : index
      %swap3A_511 = tpu.vector_load %swap3A_509[%swap3A_510] {strides = array<i32>} : memref<128xf32, #tpu.memory_space<vmem>>, vector<16xf32>,
      tpu.vector_store %swap3A_509[%swap3A_510], %scan3A_485#3 {strides = array<i32>} : memref<128xf32, #tpu.memory_space<vmem>>, vector<16xf32>,
      %swap3A_512 = arith.constant 0 : i32
      %swap3A_513 = tpu.memref_slice %arg12[%mul3A_488, %swap3A_512] : memref<8x128xf32, #tpu.memory_space<vmem>> -> memref<1x128xf32, #tpu.memory_space<vmem>>
      %swap3A_514 = tpu.memref_squeeze %swap3A_513 : memref<1x128xf32, #tpu.memory_space<vmem>> -> memref<128xf32, #tpu.memory_space<vmem>>
      %swap3A_515 = arith.constant 64 : index
      %swap3A_516 = tpu.vector_load %swap3A_514[%swap3A_515] {strides = array<i32>} : memref<128xf32, #tpu.memory_space<vmem>>, vector<16xf32>,
      tpu.vector_store %swap3A_514[%swap3A_515], %scan3A_485#4 {strides = array<i32>} : memref<128xf32, #tpu.memory_space<vmem>>, vector<16xf32>,
      %swap3A_517 = arith.constant 0 : i32
      %swap3A_518 = tpu.memref_slice %arg12[%mul3A_488, %swap3A_517] : memref<8x128xf32, #tpu.memory_space<vmem>> -> memref<1x128xf32, #tpu.memory_space<vmem>>
      %swap3A_519 = tpu.memref_squeeze %swap3A_518 : memref<1x128xf32, #tpu.memory_space<vmem>> -> memref<128xf32, #tpu.memory_space<vmem>>
      %swap3A_520 = arith.constant 80 : index
      %swap3A_521 = tpu.vector_load %swap3A_519[%swap3A_520] {strides = array<i32>} : memref<128xf32, #tpu.memory_space<vmem>>, vector<16xf32>,
      tpu.vector_store %swap3A_519[%swap3A_520], %scan3A_485#5 {strides = array<i32>} : memref<128xf32, #tpu.memory_space<vmem>>, vector<16xf32>,
      %swap3A_522 = arith.constant 0 : i32
      %swap3A_523 = tpu.memref_slice %arg12[%mul3A_488, %swap3A_522] : memref<8x128xf32, #tpu.memory_space<vmem>> -> memref<1x128xf32, #tpu.memory_space<vmem>>
      %swap3A_524 = tpu.memref_squeeze %swap3A_523 : memref<1x128xf32, #tpu.memory_space<vmem>> -> memref<128xf32, #tpu.memory_space<vmem>>
      %swap3A_525 = arith.constant 96 : index
      %swap3A_526 = tpu.vector_load %swap3A_524[%swap3A_525] {strides = array<i32>} : memref<128xf32, #tpu.memory_space<vmem>>, vector<16xf32>,
      tpu.vector_store %swap3A_524[%swap3A_525], %scan3A_485#6 {strides = array<i32>} : memref<128xf32, #tpu.memory_space<vmem>>, vector<16xf32>,
      %swap3A_527 = arith.constant 0 : i32
      %swap3A_528 = tpu.memref_slice %arg12[%mul3A_488, %swap3A_527] : memref<8x128xf32, #tpu.memory_space<vmem>> -> memref<1x128xf32, #tpu.memory_space<vmem>>
      %swap3A_529 = tpu.memref_squeeze %swap3A_528 : memref<1x128xf32, #tpu.memory_space<vmem>> -> memref<128xf32, #tpu.memory_space<vmem>>
      %swap3A_530 = arith.constant 112 : index
      %swap3A_531 = tpu.vector_load %swap3A_529[%swap3A_530] {strides = array<i32>} : memref<128xf32, #tpu.memory_space<vmem>>, vector<16xf32>,
      tpu.vector_store %swap3A_529[%swap3A_530], %scan3A_485#7 {strides = array<i32>} : memref<128xf32, #tpu.memory_space<vmem>>, vector<16xf32>,
      %swap3A_532 = arith.constant 0 : i32
      %swap3A_533 = tpu.memref_slice %arg12[%add3A_492, %swap3A_532] : memref<8x128xf32, #tpu.memory_space<vmem>> -> memref<1x128xf32, #tpu.memory_space<vmem>>
      %swap3A_534 = tpu.memref_squeeze %swap3A_533 : memref<1x128xf32, #tpu.memory_space<vmem>> -> memref<128xf32, #tpu.memory_space<vmem>>
      %swap3A_535 = arith.constant 0 : index
      %swap3A_536 = tpu.vector_load %swap3A_534[%swap3A_535] {strides = array<i32>} : memref<128xf32, #tpu.memory_space<vmem>>, vector<16xf32>,
      tpu.vector_store %swap3A_534[%swap3A_535], %scan3A_485#8 {strides = array<i32>} : memref<128xf32, #tpu.memory_space<vmem>>, vector<16xf32>,
      %swap3A_537 = arith.constant 0 : i32
      %swap3A_538 = tpu.memref_slice %arg12[%add3A_492, %swap3A_537] : memref<8x128xf32, #tpu.memory_space<vmem>> -> memref<1x128xf32, #tpu.memory_space<vmem>>
      %swap3A_539 = tpu.memref_squeeze %swap3A_538 : memref<1x128xf32, #tpu.memory_space<vmem>> -> memref<128xf32, #tpu.memory_space<vmem>>
      %swap3A_540 = arith.constant 16 : index
      %swap3A_541 = tpu.vector_load %swap3A_539[%swap3A_540] {strides = array<i32>} : memref<128xf32, #tpu.memory_space<vmem>>, vector<16xf32>,
      tpu.vector_store %swap3A_539[%swap3A_540], %scan3A_485#9 {strides = array<i32>} : memref<128xf32, #tpu.memory_space<vmem>>, vector<16xf32>,
      %swap3A_542 = arith.constant 0 : i32
      %swap3A_543 = tpu.memref_slice %arg12[%add3A_492, %swap3A_542] : memref<8x128xf32, #tpu.memory_space<vmem>> -> memref<1x128xf32, #tpu.memory_space<vmem>>
      %swap3A_544 = tpu.memref_squeeze %swap3A_543 : memref<1x128xf32, #tpu.memory_space<vmem>> -> memref<128xf32, #tpu.memory_space<vmem>>
      %swap3A_545 = arith.constant 32 : index
      %swap3A_546 = tpu.vector_load %swap3A_544[%swap3A_545] {strides = array<i32>} : memref<128xf32, #tpu.memory_space<vmem>>, vector<16xf32>,
      tpu.vector_store %swap3A_544[%swap3A_545], %scan3A_485#10 {strides = array<i32>} : memref<128xf32, #tpu.memory_space<vmem>>, vector<16xf32>,
      %swap3A_547 = arith.constant 0 : i32
      %swap3A_548 = tpu.memref_slice %arg12[%add3A_492, %swap3A_547] : memref<8x128xf32, #tpu.memory_space<vmem>> -> memref<1x128xf32, #tpu.memory_space<vmem>>
      %swap3A_549 = tpu.memref_squeeze %swap3A_548 : memref<1x128xf32, #tpu.memory_space<vmem>> -> memref<128xf32, #tpu.memory_space<vmem>>
      %swap3A_550 = arith.constant 48 : index
      %swap3A_551 = tpu.vector_load %swap3A_549[%swap3A_550] {strides = array<i32>} : memref<128xf32, #tpu.memory_space<vmem>>, vector<16xf32>,
      tpu.vector_store %swap3A_549[%swap3A_550], %scan3A_485#11 {strides = array<i32>} : memref<128xf32, #tpu.memory_space<vmem>>, vector<16xf32>,
      %swap3A_552 = arith.constant 0 : i32
      %swap3A_553 = tpu.memref_slice %arg12[%add3A_492, %swap3A_552] : memref<8x128xf32, #tpu.memory_space<vmem>> -> memref<1x128xf32, #tpu.memory_space<vmem>>
      %swap3A_554 = tpu.memref_squeeze %swap3A_553 : memref<1x128xf32, #tpu.memory_space<vmem>> -> memref<128xf32, #tpu.memory_space<vmem>>
      %swap3A_555 = arith.constant 64 : index
      %swap3A_556 = tpu.vector_load %swap3A_554[%swap3A_555] {strides = array<i32>} : memref<128xf32, #tpu.memory_space<vmem>>, vector<16xf32>,
      tpu.vector_store %swap3A_554[%swap3A_555], %scan3A_485#12 {strides = array<i32>} : memref<128xf32, #tpu.memory_space<vmem>>, vector<16xf32>,
      %jit3A_557 = arith.constant 4 : i32
      %eq3A_558 = arith.constant 0 : i32
      %eq3A_559 = arith.cmpi eq, %jit3A_557, %eq3A_558 : i32
      %jit3A_560 = arith.constant 1 : i32
      %select_n3A_561 = arith.select %eq3A_559, %jit3A_560, %jit3A_557 : i32
      %rem3A_562 = arith.remsi %scan3A_22, %select_n3A_561 : i32
      %ne3A_563 = arith.constant 0 : i32
      %ne3A_564 = arith.cmpi ne, %rem3A_562, %ne3A_563 : i32
      %lt3A_565 = arith.constant 0 : i32
      %lt3A_566 = arith.cmpi slt, %rem3A_562, %lt3A_565 : i32
      %lt3A_567 = arith.constant 0 : i32
      %lt3A_568 = arith.cmpi slt, %select_n3A_561, %lt3A_567 : i32
      %ne3A_569 = arith.xori %lt3A_566, %lt3A_568 : i1
      %and3A_570 = arith.andi %ne3A_569, %ne3A_564 : i1
      %add3A_571 = arith.addi %rem3A_562, %select_n3A_561 : i32
      %select_n3A_572 = arith.select %and3A_570, %add3A_571, %rem3A_562 : i32
      %eq3A_573 = arith.constant 3 : i32
      %eq3A_574 = arith.cmpi eq, %select_n3A_572, %eq3A_573 : i32
      %convert_element_type3A_575 = arith.extui %eq3A_574 : i1 to i32
      %cond3A_576 = arith.constant 0 : i32
      %cond3A_577 = arith.cmpi ne, %convert_element_type3A_575, %cond3A_576 : i32
      scf.if %cond3A_577 {
        %add3A_578 = arith.addi %mul3A_2, %scan3A_22 : i32
        %sub3A_579 = arith.constant 3 : i32
        %sub3A_580 = arith.subi %add3A_578, %sub3A_579 : i32
        %mul3A_581 = arith.constant 2 : i32
        %mul3A_582 = arith.muli %mul3A_581, %sub3A_580 : i32
        %dma_start3A = arith.constant 0 : i32
        %dma_start3A_583 = tpu.memref_slice %arg6[%mul3A_582, %dma_start3A] : memref<8192x128xf32, #tpu.memory_space<hbm>> -> memref<8x128xf32, #tpu.memory_space<hbm>>
        %dma_start3A_584 = arith.constant 0 : i32
        %dma_start3A_585 = tpu.memref_slice %arg6[%mul3A_582, %dma_start3A_584] : memref<8192x128xf32, #tpu.memory_space<hbm>> -> memref<8x128xf32, #tpu.memory_space<hbm>>
        tpu.enqueue_dma source(%arg12 : memref<8x128xf32, #tpu.memory_space<vmem>>) target(%dma_start3A_585 : memref<8x128xf32, #tpu.memory_space<hbm>>) target_semaphore(%arg15 : memref<!tpu.dma_semaphore, #tpu.memory_space<semaphore_mem>>)
      } else {
      }
    }
    %scan3A_16 = arith.constant 128 : i32
    %dma_wait3A = arith.constant 0 : i32
    %dma_wait3A_17 = arith.constant 0 : i32
    %dma_wait3A_18 = tpu.memref_slice %arg6[%dma_wait3A, %dma_wait3A_17] : memref<8192x128xf32, #tpu.memory_space<hbm>> -> memref<8x128xf32, #tpu.memory_space<hbm>>
    %dma_wait3A_19 = arith.constant 0 : i32
    %dma_wait3A_20 = arith.constant 0 : i32
    %dma_wait3A_21 = tpu.memref_slice %arg6[%dma_wait3A_19, %dma_wait3A_20] : memref<8192x128xf32, #tpu.memory_space<hbm>> -> memref<8x128xf32, #tpu.memory_space<hbm>>
    tpu.wait_dma2 semaphore(%arg15 : memref<!tpu.dma_semaphore, #tpu.memory_space<semaphore_mem>>) src(%arg12 : memref<8x128xf32, #tpu.memory_space<vmem>>) dst(%dma_wait3A_21 : memref<8x128xf32, #tpu.memory_space<hbm>>)
    return
  }
}

</mosaic_0001>

<sc_bundles>
// kernel: _run.3.cloned.1.call-start
scs
__scs_entry_jumppad:
0x0: {  	(pc) =	sbr.rel $0x88, $3  }
0x1: {  	(tag) =	ssettag $0x0;
	lr =	simm.s32 $0x1  }
0x2: {  	[smem:$0x3F9D] =	sst lr;
	_ =	strace $0xD0000000  }
0x3: {  	_ = 	snop  }
0x4: {  	_ = 	snop  }
0x5: {  	_ = 	snop  }
0x6: {  	_ = 	snop  }
0x7: {  	_ = 	snop  }
__scs_overlays_trampoline_lowered:
0x8: {  	[smem:$0x3FAC] =	sst s0  }
0x9: {  	[smem:$0x3FAD] =	sst s1  }
0xa: {  	[smem:$0x3FAE] =	sst s2  }
0xb: {  	[smem:$0x3FAF] =	sst s3  }
0xc: {  	[smem:$0x3FB0] =	sst s4  }
0xd: {  	[smem:$0x3FB1] =	sst s5  }
0xe: {  	[smem:$0x3FB2] =	sst s6  }
0xf: {  	[smem:$0x3FB3] =	sst s7  }
0x10: {  	[smem:$0x3FB4] =	sst s8  }
0x11: {  	[smem:$0x3FB5] =	sst s9;
	s0 =	simm.s32 @!p0 $0x0  }
0x12: {  	s1 =	sld [smem:$0x3F9B];
	s0 =	simm.s32 @p0 $0x1  }
0x13: {  	[smem:$0x3FB6] =	sst s0;
	s0 =	simm.s32 @!p1 $0x0  }
0x14: {  	s2 =	sld [smem:$0x3F9A];
	s0 =	simm.s32 @p1 $0x1  }
0x15: {  	[smem:$0x3FB7] =	sst s0;
	s0 =	simm.s32 @!p2 $0x0  }
0x16: {  	s3 =	sld [smem:$0x3FDB];
	s0 =	simm.s32 @p2 $0x1  }
0x17: {  	s4 =	simm.s32 $0x1BF5;
	[smem:$0x3FB9] =	sst s0  }
0x18: {  	s0 =	sld [smem:$0x3F9C];
	_ =	swait.ge [sflag:s4], $0x0  }
0x19: {  	s7 =	sld [smem:$0x3F9D]  }
0x1a: {  	s8 =	sadd.s32 $0xFFFFE003, lr  }
0x1b: {  	s9 =	sadd.s32 $0xFFFFFEF7, lr;
	s5 =	simm.s32 $0xFFFFFFFF;
	p2 =	slt.u32 s8, $0xFFFFF086  }
0x1c: {  	p1 =	slt.u32 s9, $0xF7A;
	s5 =	simm.s32 @!p2 $0x0  }
0x1d: {  	s5 =	simm.s32 @p1 $0x1;
	p0 =	seq.s32 s7, s2  }
0x1e: {  	s7 =	smul.u32 @!p0 $0xF7A, s2;
	p2 =	seq.s32 @!p0 s5, $0x0  }
0x1f: {  	s9 =	smul.u32 $0xF7A, s1;
	s8 =	simm.s32 @!p0 $0x1BF5;
	p2 =	por !p2, p0  }
0x20: {  	[sflag:s8] =	ssyncset.s32 @!p0 $0xFFFFF086;
	s6 =	sadd.s32 @!p0 s3, s7;
	s7 =	simm.s32 @!p0 $0x108  }
0x21: {  	s3 =	sadd.s32 s3, s9;
	s6 =	sadd.s32 @!p0 $0x88, s6;
	s7 =	simm.s32 @p2 $0x1082  }
0x22: {  	[simem:s7], [sflag:s8] =	dma.local @!p0 [hbm:s6], $0xF7A  }
0x23: {  	s9 =	sor.u32 $0xD0000000, s2;
	s6 =	simm.s32 $0x108;
	_ =	swait.ge @!p0 [sflag:s8], $0x0  }
0x24: {  	s3 =	sadd.s32 $0x88, s3;
	s6 =	simm.s32 @!p1 $0x1082;
	[sflag:s4] =	ssyncset.s32 $0xFFFFF086  }
0x25: {  	[simem:s6], [sflag:s4] =	dma.local [hbm:s3], $0xF7A  }
0x26: {  	[smem:$0x3F9D] =	sst s1;
	(tag) =	ssettag s2;
	_ =	strace s9  }
0x27: {  	s1 =	sld [smem:$0x3FAD]  }
0x28: {  	s2 =	sld [smem:$0x3FAE]  }
0x29: {  	s4 =	sld [smem:$0x3FB0]  }
0x2a: {  	p0 =	seq.s32 s5, $0x0;
	s5 =	sld [smem:$0x3FB1]  }
0x2b: {  	s6 =	sld [smem:$0x3FB2]  }
0x2c: {  	s7 =	sld [smem:$0x3FB3]  }
0x2d: {  	s3 =	simm.s32 $0x108;
	s8 =	sld [smem:$0x3FB4]  }
0x2e: {  	s3 =	simm.s32 @!p0 $0x1082;
	s9 =	sld [smem:$0x3FB5]  }
0x2f: {  	lr =	sadd.s32 s0, s3;
	s0 =	sld [smem:$0x3FAC]  }
0x30: {  	s3 =	sld [smem:$0x3FAF]  }
0x31: {  	[smem:$0x3FB8] =	sst s10  }
0x32: {  	s10 =	sld [smem:$0x3FB6];
	_ =	sdelay $0x3  }
0x33: {  	p0 =	seq.s32 s10, $0x1;
	s10 =	sld [smem:$0x3FB8];
	_ =	sdelay $0x3  }
0x34: {  	[smem:$0x3FB8] =	sst s10  }
0x35: {  	s10 =	sld [smem:$0x3FB7];
	_ =	sdelay $0x3  }
0x36: {  	p1 =	seq.s32 s10, $0x1;
	s10 =	sld [smem:$0x3FB8];
	_ =	sdelay $0x3  }
0x37: {  	[smem:$0x3FB8] =	sst s10  }
0x38: {  	s10 =	sld [smem:$0x3FB9]  }
0x39: {  	_ = 	snop;
	(pc) =	sbr.ind lr, $3  }
0x3a: {  	_ = 	snop  }
0x3b: {  	_ = 	snop  }
0x3c: {  	p2 =	seq.s32 s10, $0x1;
	s10 =	sld [smem:$0x3FB8]  }
0x3d: {  	_ =	shalt  }
0x3e: {  	_ =	shalt  }
0x3f: {  	_ =	shalt  }
0x40: {  	_ =	shalt  }
0x41: {  	_ =	shalt  }
0x42: {  	_ =	shalt  }
0x43: {  	_ =	shalt  }
0x44: {  	_ =	shalt  }
0x45: {  	_ =	shalt  }
0x46: {  	_ =	shalt  }
0x47: {  	_ =	shalt  }
0x48: {  	_ =	shalt  }
0x49: {  	_ =	shalt  }
0x4a: {  	_ =	shalt  }
0x4b: {  	_ =	shalt  }
0x4c: {  	_ =	shalt  }
0x4d: {  	_ =	shalt  }
0x4e: {  	_ =	shalt  }
0x4f: {  	_ =	shalt  }
0x50: {  	_ =	shalt  }
0x51: {  	_ =	shalt  }
0x52: {  	_ =	shalt  }
0x53: {  	_ =	shalt  }
0x54: {  	_ =	shalt  }
0x55: {  	_ =	shalt  }
0x56: {  	_ =	shalt  }
0x57: {  	_ =	shalt  }
0x58: {  	_ =	shalt  }
0x59: {  	_ =	shalt  }
0x5a: {  	_ =	shalt  }
0x5b: {  	_ =	shalt  }
0x5c: {  	_ =	shalt  }
0x5d: {  	_ =	shalt  }
0x5e: {  	_ =	shalt  }
0x5f: {  	_ =	shalt  }
0x60: {  	_ =	shalt  }
0x61: {  	_ =	shalt  }
0x62: {  	_ =	shalt  }
0x63: {  	_ =	shalt  }
0x64: {  	_ =	shalt  }
0x65: {  	_ =	shalt  }
0x66: {  	_ =	shalt  }
0x67: {  	_ =	shalt  }
0x68: {  	_ =	shalt  }
0x69: {  	_ =	shalt  }
0x6a: {  	_ =	shalt  }
0x6b: {  	_ =	shalt  }
0x6c: {  	_ =	shalt  }
0x6d: {  	_ =	shalt  }
0x6e: {  	_ =	shalt  }
0x6f: {  	_ =	shalt  }
0x70: {  	_ =	shalt  }
0x71: {  	_ =	shalt  }
0x72: {  	_ =	shalt  }
0x73: {  	_ =	shalt  }
0x74: {  	_ =	shalt  }
0x75: {  	_ =	shalt  }
0x76: {  	_ =	shalt  }
0x77: {  	_ =	shalt  }
0x78: {  	_ =	shalt  }
0x79: {  	_ =	shalt  }
0x7a: {  	_ =	shalt  }
0x7b: {  	_ =	shalt  }
0x7c: {  	_ =	shalt  }
0x7d: {  	_ =	shalt  }
0x7e: {  	_ =	shalt  }
0x7f: {  	_ =	shalt  }
0x80: {  	_ =	shalt  }
0x81: {  	_ =	shalt  }
0x82: {  	_ =	shalt  }
0x83: {  	_ =	shalt  }
0x84: {  	_ =	shalt  }
0x85: {  	_ =	shalt  }
0x86: {  	_ =	shalt  }
0x87: {  	_ =	shalt  }
.Lfunc_end0:
.L_simem_size_0:
called_computation_lowered:
.L_overlay_start_0:
0x88: {  	s2 =	sld [smem:$0x3FD9]  }
0x89: {  	s3 =	sld [smem:$0x3FFE];
	_ =	sdelay $0x1  }
0x8a: {  	s1 =	srdreg.scid  }
0x8b: {  	s0 =	sand.u32 $0x1, s1  }
0x8c: {  	s17 =	sshll.u32 s0, $0xA;
	s2 =	sadd.s32 s3, s2  }
0x8d: {  	s2 =	sadd.s32 s2, s17  }
0x8e: {  	[smem:$0x3FC4] =	sst s2  }
0x8f: {  	_ = 	snop  }
0x90: {  	s2 =	sld [smem:$0x3FC9]  }
0x91: {  	s18 =	sld [smem:$0x3FC6]  }
0x92: {  	s4 =	sld [smem:$0x3FD0];
	(tm) =	ssettm $0x1  }
0x93: {  	s5 =	sld [smem:$0x3FFB];
	_ =	sdelay $0x3  }
0x94: {  	_ =	strace s5  }
0x95: {  	s5 =	sld [smem:$0x3FFC];
	_ =	sdelay $0x3  }
0x96: {  	_ =	strace s5  }
0x97: {  	s5 =	sld [smem:$0x3FFD];
	_ =	sdelay $0x3  }
0x98: {  	_ =	strace s5  }
0x99: {  	_ =	strace $0x8FFFFFFF  }
0x9a: {  	s19 =	sld [smem:$0x3FDB];
	_ =	sdelay $0x1  }
0x9b: {  	s6 =	simm.s32 $_scs_section_size  }
0x9c: {  	s7 =	simm.s32 $_size__tile_overlayer_lowered;
	s8 =	simm.s32 $_tile_overlayer_lowered  }
0x9d: {  	s22 =	simm.s32 $0x1BFF;
	s21 =	sshll.u32 s8, $0x1;
	s5 =	sadd.s32 s6, s19  }
0x9e: {  	s9 =	simm.s32 $0x0;
	s20 =	sshll.u32 s7, $0x1;
	s7 =	sadd.s32 s21, s5  }
0x9f: {  	[timem:s9], [sflag:s22] =	dma.local [hbm:s7], s20  }
0xa0: {  	_ =	swait.ge [sflag:s22], s20  }
0xa1: {  	s6 =	ssub.s32 $0x0, s20;
	[sflag:s22] =	ssyncset.done $0x0  }
0xa2: {  	[sflag:s22] =	ssyncadd.s32 s6;
	_ =	sdelay $0x1  }
0xa3: {  	s23 =	simm.s32 $0x1B8B  }
0xa4: {  	_ =	swait.ge [sflag:s23], $0x1  }
0xa5: {  	[sflag:s23] =	ssyncset.done $0x0  }
0xa6: {  	s25 =	simm.s32 $0x1B8E;
	s24 =	sld [smem:$0x3FFE];
	[sflag:s23] =	ssyncadd.s32 $0xFFFFFFFF  }
0xa7: {  	s26 =	simm.s32 $execute0_lowered;
	[smem:$0x3FD2] =	sst s25  }
0xa8: {  	s7 =	sshll.u32 s26, $0x1;
	_ =	strace $0x80000046;
	[dreg:$0x1] =	wrdreg $0xFFFFFFFF  }
0xa9: {  	s28 =	simm.s32 $_size_execute0_lowered;
	s5 =	sadd.s32 s5, s7;
	[dreg:$0x0] =	wrdreg $0x0  }
0xaa: {  	s7 =	sshll.u32 s28, $0x1;
	[dreg:$0x2] =	wrdreg s5  }
0xab: {  	[dreg:$0x3] =	wrdreg s7  }
0xac: {  	[dreg:$0x4] =	wrdreg $0xC0  }
0xad: {  	_ =	task [dreg:s9], $0x5FFFF  }
0xae: {  	[dreg:$0x1] =	wrdreg $0xFFFFFFFF  }
0xaf: {  	[dreg:$0x0] =	wrdreg $0x60  }
0xb0: {  	[dreg:$0x2] =	wrdreg s2  }
0xb1: {  	[dreg:$0x3] =	wrdreg s24  }
0xb2: {  	[dreg:$0x4] =	wrdreg s18  }
0xb3: {  	[dreg:$0x5] =	wrdreg s4  }
0xb4: {  	[dreg:$0x6] =	wrdreg $0x9  }
0xb5: {  	_ =	task.clear_ibuf [dreg:s9], $0x7FFFF;
	_ =	strace $0x90000046  }
0xb6: {  	s29 =	simm.s32 $0x9;
	_ =	strace $0x80000048  }
0xb7: {  	_ =	swait.ge [sflag:s29], $0x1  }
0xb8: {  	[sflag:s29] =	ssyncadd.s32 $0xFFFFFFFF  }
0xb9: {  	_ =	strace $0x90000048  }
0xba: {  	_ =	sfence  }
0xbb: {  	s30 =	sld [smem:$0x0];
	_ =	sdelay $0x2  }
0xbc: {  	s31 =	sshll.u32 s1, $0xD;
	s1 =	sshrl.u32 s1, $0x2  }
0xbd: {  	s3 =	sand.u32 $0x4000, s31;
	s1 =	sadd.s32 s1, s30  }
0xbe: {  	s0 =	sor.u32 s3, s0;
	s1 =	sshll.u32 s1, $0x11  }
0xbf: {  	s0 =	sor.u32 s1, s0  }
0xc0: {  	s0 =	sadd.s32 $0x8F2B, s0  }
0xc1: {  	[sflag:s0] =	ssyncadd.remote.s32 $0x1  }
0xc2: {  	_ =	sfence.sel $0xFFFF  }
0xc3: {  	[dreg:$0x0] =	wrdreg $0xFFFFFFFF;
	(pc) =	sbr.abs _section_cstart, $3  }
0xc4: {  	[dreg:$0x1] =	wrdreg $0xFFFFFFFF  }
0xc5: {  	_ =	task.clear_ibuf [dreg:s9], $0x2FFFF;
	_ =	strace $0x9FFFFFFF  }
0xc6: {  	(tm) =	ssettm $0x7FFFFFFF  }
0xc7: {  	_ =	shalt  }
tec
execute0_lowered:
.L_overlay_start_1:
0x0: {  	(tag) =	ssettag $0x1  }
0x1: {  	s0 =	rddreg [dreg:$0x0]  }
0x2: {  	s2 =	rddreg [dreg:$0x1]  }
0x3: {  	s1 =	rddreg [dreg:$0x2]  }
0x4: {  	s3 =	rddreg [dreg:$0x3];
	s4 =	simm.s32 $0x0  }
0x5: {  	s5 =	srdreg.scid;
	s6 =	stileid.u32;
	s11 =	simm.s32 $0x6400  }
0x6: {  	s12 =	simm.s32 $0x80;
	s14 =	simm.s32 $0x8400;
	s15 =	simm.s32 $0x18400  }
0x7: {  	s28 =	simm.s32 $0x18A00;
	s29 =	simm.s32 $0x10400;
	s30 =	simm.s32 $0x200  }
0x8: {  	s31 =	simm.s32 $0x18600;
	s13 =	simm.s32 $0x3;
	s16 =	simm.s32 $0x0  }
0x9: {  	[smem:$0x7FF] =	sst s4;
	s5 =	sand.u32 $0x1, s5;
	s6 =	sshll.u32 s6, $0x1  }
0xa: {  	_ =	strace $0x80000047;
	s8 =	sor.u32 s5, s6;
	s23 =	ssub.s32 $0x2, s5  }
0xb: {  	s5 =	sadd.s32 $0x1E85000, s2;
	s24 =	sshll.u32 s8, $0xA;
	s7 =	sshrl.u32 s23, $0x1  }
0xc: {  	s9 =	smul.u32 $0xC80, s8;
	s26 =	sshll.u32 s8, $0xF;
	s10 =	sadd.s32 s24, s2  }
0xd: {  	s25 =	ssub.s32 s23, s7;
	s8 =	sadd.s32 $0xFFFFFD00, s26;
	s26 =	simm.s32 $0x18580  }
0xe: {  	v0 =	vlaneseq.u32;
	s2 =	simm.s32 $0x2;
	s6 =	sadd.s32 s0, s9;
	s7 =	sadd.s32 $0x600, s10  }
0xf: {  	v1 =	vand.u32 $0x7, v0;
	s9 =	smax.u32 s25, $0x1;
	s10 =	simm.s32 $0x4;
	s0 =	simm.s32 $0x1  }
.LBB2_1:
0x10: {  	[tilespmem:s4], [sflag:$0x4] =	stream.linear.gather [hbm4b:s6+s4], $0x6400, $0x38;
	[tilespmem:$0x19000] =	vst v63  }
0x11: {  	_ =	swait.ge [sflag:s10], $0x6400  }
0x12: {  	[sflag:s10] =	ssyncset.done $0x0  }
0x13: {  	[sflag:s10] =	ssyncadd.s32 $0xFFFF9C00  }
0x14: {  	[tilespmem:s11], [sflag:$0x4] =	stream.linear.gather [hbm4b:s7+s4], $0x2000, $0x38;
	[tilespmem:$0x19000] =	vst v63  }
0x15: {  	_ =	swait.ge [sflag:s10], $0x2000  }
0x16: {  	[sflag:s10] =	ssyncset.done $0x0  }
0x17: {  	[sflag:s10] =	ssyncadd.s32 $0xFFFFE000  }
0x18: {  	v2 =	vld [tilespmem:$0x0]  }
0x19: {  	v3 =	vld [tilespmem:$0x10]  }
0x1a: {  	v4 =	vld [tilespmem:$0x20]  }
0x1b: {  	v5 =	vld [tilespmem:$0x30]  }
0x1c: {  	v6 =	vld [tilespmem:$0x40]  }
0x1d: {  	v7 =	vld [tilespmem:$0x50];
	v2 =	vshll.u32 v2, $0x1  }
0x1e: {  	[tilespmem:$0x18800] =	vst v2;
	v2 =	vshll.u32 v3, $0x1;
	v3 =	vld [tilespmem:$0x60]  }
0x1f: {  	v43 =	vld [tilespmem:$0x70];
	[tilespmem:$0x18810] =	vst v2;
	v2 =	vshll.u32 v4, $0x1  }
0x20: {  	[tilespmem:$0x18820] =	vst v2;
	v2 =	vshll.u32 v5, $0x1  }
0x21: {  	[tilespmem:$0x18830] =	vst v2;
	v2 =	vshll.u32 v6, $0x1  }
0x22: {  	[tilespmem:$0x18840] =	vst v2;
	v2 =	vshll.u32 v7, $0x1  }
0x23: {  	[tilespmem:$0x18850] =	vst v2;
	v2 =	vshll.u32 v3, $0x1  }
0x24: {  	[tilespmem:$0x18860] =	vst v2;
	v2 =	vshll.u32 v43, $0x1  }
0x25: {  	s17 =	simm.s32 $0x18800;
	[tilespmem:$0x18870] =	vst v2  }
0x26: {  	[tilespmem:s14], [sflag:$0x1] =	stream.indirect.gather [hbm4b:s5+s12], $0x40, s17, s12, $0xb8;
	[tilespmem:$0x19000] =	vst v63  }
0x27: {  	_ = 	snop  }
0x28: {  	[tilespmem:s15], [sflag:$0x2] =	stream.indirect.gather [hbm4b:s1+s12], $0x1, s4, s12, $0xb8;
	[tilespmem:$0x19000] =	vst v63  }
0x29: {  	v2 =	vld [tilespmem:$0x80]  }
0x2a: {  	v3 =	vld [tilespmem:$0x90]  }
0x2b: {  	v44 =	vld [tilespmem:$0xA0]  }
0x2c: {  	v45 =	vld [tilespmem:$0xB0]  }
0x2d: {  	v46 =	vld [tilespmem:$0xC0]  }
0x2e: {  	v47 =	vld [tilespmem:$0xD0];
	v2 =	vshll.u32 v2, $0x1  }
0x2f: {  	[tilespmem:$0x18880] =	vst v2;
	v2 =	vshll.u32 v3, $0x1;
	v3 =	vld [tilespmem:$0xE0]  }
0x30: {  	v48 =	vld [tilespmem:$0xF0];
	[tilespmem:$0x18890] =	vst v2;
	v2 =	vshll.u32 v44, $0x1  }
0x31: {  	[tilespmem:$0x188A0] =	vst v2;
	v2 =	vshll.u32 v45, $0x1  }
0x32: {  	[tilespmem:$0x188B0] =	vst v2;
	v2 =	vshll.u32 v46, $0x1  }
0x33: {  	[tilespmem:$0x188C0] =	vst v2;
	v2 =	vshll.u32 v47, $0x1  }
0x34: {  	[tilespmem:$0x188D0] =	vst v2;
	v2 =	vshll.u32 v3, $0x1  }
0x35: {  	[tilespmem:$0x188E0] =	vst v2;
	v2 =	vshll.u32 v48, $0x1  }
0x36: {  	s25 =	simm.s32 $0x18880;
	s18 =	simm.s32 $0xA400;
	[tilespmem:$0x188F0] =	vst v2  }
0x37: {  	[tilespmem:s18], [sflag:$0x1] =	stream.indirect.gather [hbm4b:s5+s12], $0x40, s25, s12, $0xb8;
	[tilespmem:$0x19000] =	vst v63  }
0x38: {  	s18 =	simm.s32 $0x18480  }
0x39: {  	[tilespmem:s18], [sflag:$0x2] =	stream.indirect.gather [hbm4b:s1+s12], $0x1, s12, s12, $0xb8;
	[tilespmem:$0x19000] =	vst v63  }
0x3a: {  	v2 =	vld [tilespmem:$0x100]  }
0x3b: {  	v3 =	vld [tilespmem:$0x110]  }
0x3c: {  	v49 =	vld [tilespmem:$0x120]  }
0x3d: {  	v50 =	vld [tilespmem:$0x130]  }
0x3e: {  	v51 =	vld [tilespmem:$0x140]  }
0x3f: {  	v52 =	vld [tilespmem:$0x150];
	v2 =	vshll.u32 v2, $0x1  }
0x40: {  	[tilespmem:$0x18900] =	vst v2;
	v2 =	vshll.u32 v3, $0x1;
	v3 =	vld [tilespmem:$0x160]  }
0x41: {  	v53 =	vld [tilespmem:$0x170];
	[tilespmem:$0x18910] =	vst v2;
	v2 =	vshll.u32 v49, $0x1  }
0x42: {  	[tilespmem:$0x18920] =	vst v2;
	v2 =	vshll.u32 v50, $0x1  }
0x43: {  	[tilespmem:$0x18930] =	vst v2;
	v2 =	vshll.u32 v51, $0x1  }
0x44: {  	[tilespmem:$0x18940] =	vst v2;
	v2 =	vshll.u32 v52, $0x1  }
0x45: {  	[tilespmem:$0x18950] =	vst v2;
	v2 =	vshll.u32 v3, $0x1  }
0x46: {  	[tilespmem:$0x18960] =	vst v2;
	v2 =	vshll.u32 v53, $0x1  }
0x47: {  	s19 =	simm.s32 $0x18900;
	s20 =	simm.s32 $0xC400;
	[tilespmem:$0x18970] =	vst v2  }
0x48: {  	[tilespmem:s20], [sflag:$0x1] =	stream.indirect.gather [hbm4b:s5+s12], $0x40, s19, s12, $0xb8;
	[tilespmem:$0x19000] =	vst v63  }
0x49: {  	s21 =	simm.s32 $0x100;
	s22 =	simm.s32 $0x18500  }
0x4a: {  	[tilespmem:s22], [sflag:$0x2] =	stream.indirect.gather [hbm4b:s1+s12], $0x1, s21, s12, $0xb8;
	[tilespmem:$0x19000] =	vst v63  }
0x4b: {  	v2 =	vld [tilespmem:$0x180]  }
0x4c: {  	v3 =	vld [tilespmem:$0x190]  }
0x4d: {  	v54 =	vld [tilespmem:$0x1A0]  }
0x4e: {  	v55 =	vld [tilespmem:$0x1B0]  }
0x4f: {  	v56 =	vld [tilespmem:$0x1C0]  }
0x50: {  	v57 =	vld [tilespmem:$0x1D0];
	v2 =	vshll.u32 v2, $0x1  }
0x51: {  	[tilespmem:$0x18980] =	vst v2;
	v2 =	vshll.u32 v3, $0x1;
	v3 =	vld [tilespmem:$0x1E0]  }
0x52: {  	v58 =	vld [tilespmem:$0x1F0];
	[tilespmem:$0x18990] =	vst v2;
	v2 =	vshll.u32 v54, $0x1  }
0x53: {  	[tilespmem:$0x189A0] =	vst v2;
	v2 =	vshll.u32 v55, $0x1  }
0x54: {  	[tilespmem:$0x189B0] =	vst v2;
	v2 =	vshll.u32 v56, $0x1  }
0x55: {  	[tilespmem:$0x189C0] =	vst v2;
	v2 =	vshll.u32 v57, $0x1  }
0x56: {  	[tilespmem:$0x189D0] =	vst v2;
	v2 =	vshll.u32 v3, $0x1  }
0x57: {  	[tilespmem:$0x189E0] =	vst v2;
	v2 =	vshll.u32 v58, $0x1  }
0x58: {  	s23 =	simm.s32 $0x18980;
	s24 =	simm.s32 $0xE400;
	[tilespmem:$0x189F0] =	vst v2  }
0x59: {  	[tilespmem:s24], [sflag:$0x1] =	stream.indirect.gather [hbm4b:s5+s12], $0x40, s23, s12, $0xb8;
	[tilespmem:$0x19000] =	vst v63  }
0x5a: {  	s25 =	simm.s32 $0x180  }
0x5b: {  	[tilespmem:s26], [sflag:$0x2] =	stream.indirect.gather [hbm4b:s1+s12], $0x1, s25, s12, $0xb8;
	[tilespmem:$0x19000] =	vst v63  }
0x5c: {  	v2 =	vld [tilespmem:$0x200]  }
0x5d: {  	v3 =	vld [tilespmem:$0x210]  }
0x5e: {  	v59 =	vld [tilespmem:$0x220]  }
0x5f: {  	v60 =	vld [tilespmem:$0x230]  }
0x60: {  	v61 =	vld [tilespmem:$0x240]  }
0x61: {  	v62 =	vld [tilespmem:$0x250];
	v2 =	vshll.u32 v2, $0x1  }
0x62: {  	[tilespmem:$0x18A00] =	vst v2;
	v2 =	vshll.u32 v3, $0x1;
	v3 =	vld [tilespmem:$0x260]  }
0x63: {  	v63 =	vld [tilespmem:$0x270];
	[tilespmem:$0x18A10] =	vst v2;
	v2 =	vshll.u32 v59, $0x1  }
0x64: {  	[tilespmem:$0x18A20] =	vst v2;
	v2 =	vshll.u32 v60, $0x1  }
0x65: {  	[tilespmem:$0x18A30] =	vst v2;
	v2 =	vshll.u32 v61, $0x1  }
0x66: {  	[tilespmem:$0x18A40] =	vst v2;
	v2 =	vshll.u32 v62, $0x1  }
0x67: {  	[tilespmem:$0x18A50] =	vst v2;
	v2 =	vshll.u32 v3, $0x1  }
0x68: {  	[tilespmem:$0x18A60] =	vst v2;
	v2 =	vshll.u32 v63, $0x1  }
0x69: {  	[tilespmem:$0x18A70] =	vst v2  }
0x6a: {  	[tilespmem:s29], [sflag:$0x1] =	stream.indirect.gather [hbm4b:s5+s12], $0x40, s28, s12, $0xb8;
	[tilespmem:$0x19000] =	vst v63  }
0x6b: {  	s17 =	simm.s32 $0x0  }
0x6c: {  	[tilespmem:s31], [sflag:$0x2] =	stream.indirect.gather [hbm4b:s1+s12], $0x1, s30, s12, $0xb8;
	[tilespmem:$0x19000] =	vst v63  }
.LBB2_2:
0x6d: {  	s18 =	smul.u32 $0x19, s17;
	_ =	sdelay $0x1  }
0x6e: {  	s19 =	sadd.s32 $0x28, s18  }
0x6f: {  	s20 =	sadd.s32 $0xF, s18;
	s18 =	sshrl.u32 s19, $0x4  }
0x70: {  	s19 =	sshrl.u32 s20, $0x4;
	s20 =	smin.u32 s18, $0xC3  }
0x71: {  	p0 =	sge.u32 s19, s20  }
0x72: {  	s21 =	sshll.u32 @!p0 s19, $0x7  }
0x73: {  	s21 =	sadd.s32 @!p0 $0x280, s21  }
0x74: {  	s22 =	sand.u32 @!p0 $0x3FFFFF80, s21  }
0x75: {  	v2 =	vld @!p0 [tilespmem:s22+$0x0];
	_ =	sdelay $0x4  }
0x76: {  	s21 =	sand.u32 @!p0 $0x380, s21;
	v2 =	vshll.u32 @!p0 v2, $0x1  }
0x77: {  	[tilespmem:s21+$0x18800] =	vst @!p0 v2  }
0x78: {  	v2 =	vld @!p0 [tilespmem:s22+$0x10];
	_ =	sdelay $0x4  }
0x79: {  	v2 =	vshll.u32 @!p0 v2, $0x1  }
0x7a: {  	[tilespmem:s21+$0x18810] =	vst @!p0 v2  }
0x7b: {  	v2 =	vld @!p0 [tilespmem:s22+$0x20];
	_ =	sdelay $0x4  }
0x7c: {  	v2 =	vshll.u32 @!p0 v2, $0x1  }
0x7d: {  	[tilespmem:s21+$0x18820] =	vst @!p0 v2  }
0x7e: {  	v2 =	vld @!p0 [tilespmem:s22+$0x30];
	_ =	sdelay $0x4  }
0x7f: {  	v2 =	vshll.u32 @!p0 v2, $0x1  }
0x80: {  	[tilespmem:s21+$0x18830] =	vst @!p0 v2  }
0x81: {  	v2 =	vld @!p0 [tilespmem:s22+$0x40];
	_ =	sdelay $0x4  }
0x82: {  	v2 =	vshll.u32 @!p0 v2, $0x1  }
0x83: {  	[tilespmem:s21+$0x18840] =	vst @!p0 v2  }
0x84: {  	v2 =	vld @!p0 [tilespmem:s22+$0x50];
	_ =	sdelay $0x4  }
0x85: {  	v2 =	vshll.u32 @!p0 v2, $0x1  }
0x86: {  	[tilespmem:s21+$0x18850] =	vst @!p0 v2  }
0x87: {  	v2 =	vld @!p0 [tilespmem:s22+$0x60];
	_ =	sdelay $0x4  }
0x88: {  	v2 =	vshll.u32 @!p0 v2, $0x1  }
0x89: {  	[tilespmem:s21+$0x18860] =	vst @!p0 v2  }
0x8a: {  	v2 =	vld @!p0 [tilespmem:s22+$0x70];
	_ =	sdelay $0x4  }
0x8b: {  	s23 =	sshll.u32 @!p0 s21, $0x6;
	v2 =	vshll.u32 @!p0 v2, $0x1  }
0x8c: {  	s25 =	simm.s32 @!p0 $0x80;
	s24 =	sor.u32 @!p0 $0x18800, s21;
	s23 =	sadd.s32 @!p0 $0x8400, s23;
	[tilespmem:s21+$0x18870] =	vst @!p0 v2  }
0x8d: {  	[tilespmem:s23], [sflag:$0x1] =	stream.indirect.gather @!p0 [hbm4b:s5+s25], $0x40, s24, s25, $0xb8;
	[tilespmem:$0x19000] =	vst v63  }
0x8e: {  	s21 =	sor.u32 @!p0 $0x18400, s21;
	s23 =	sadd.s32 $0x1, s19  }
0x8f: {  	[tilespmem:s21], [sflag:$0x2] =	stream.indirect.gather @!p0 [hbm4b:s1+s25], $0x1, s22, s25, $0xb8;
	[tilespmem:$0x19000] =	vst v63  }
0x90: {  	s22 =	sadd.s32 $0x6, s19;
	p0 =	sge.u32 s23, s20  }
0x91: {  	s20 =	sshll.u32 @!p0 s22, $0x7  }
0x92: {  	s21 =	sand.u32 @!p0 $0x3FFFFF80, s20  }
0x93: {  	v2 =	vld @!p0 [tilespmem:s21+$0x0];
	_ =	sdelay $0x4  }
0x94: {  	s20 =	sand.u32 @!p0 $0x380, s20;
	v2 =	vshll.u32 @!p0 v2, $0x1  }
0x95: {  	[tilespmem:s20+$0x18800] =	vst @!p0 v2  }
0x96: {  	v2 =	vld @!p0 [tilespmem:s21+$0x10];
	_ =	sdelay $0x4  }
0x97: {  	v2 =	vshll.u32 @!p0 v2, $0x1  }
0x98: {  	[tilespmem:s20+$0x18810] =	vst @!p0 v2  }
0x99: {  	v2 =	vld @!p0 [tilespmem:s21+$0x20];
	_ =	sdelay $0x4  }
0x9a: {  	v2 =	vshll.u32 @!p0 v2, $0x1  }
0x9b: {  	[tilespmem:s20+$0x18820] =	vst @!p0 v2  }
0x9c: {  	v2 =	vld @!p0 [tilespmem:s21+$0x30];
	_ =	sdelay $0x4  }
0x9d: {  	v2 =	vshll.u32 @!p0 v2, $0x1  }
0x9e: {  	[tilespmem:s20+$0x18830] =	vst @!p0 v2  }
0x9f: {  	v2 =	vld @!p0 [tilespmem:s21+$0x40];
	_ =	sdelay $0x4  }
0xa0: {  	v2 =	vshll.u32 @!p0 v2, $0x1  }
0xa1: {  	[tilespmem:s20+$0x18840] =	vst @!p0 v2  }
0xa2: {  	v2 =	vld @!p0 [tilespmem:s21+$0x50];
	_ =	sdelay $0x4  }
0xa3: {  	v2 =	vshll.u32 @!p0 v2, $0x1  }
0xa4: {  	[tilespmem:s20+$0x18850] =	vst @!p0 v2  }
0xa5: {  	v2 =	vld @!p0 [tilespmem:s21+$0x60];
	_ =	sdelay $0x4  }
0xa6: {  	v2 =	vshll.u32 @!p0 v2, $0x1  }
0xa7: {  	[tilespmem:s20+$0x18860] =	vst @!p0 v2  }
0xa8: {  	v2 =	vld @!p0 [tilespmem:s21+$0x70];
	_ =	sdelay $0x4  }
0xa9: {  	s22 =	sshll.u32 @!p0 s20, $0x6;
	v2 =	vshll.u32 @!p0 v2, $0x1  }
0xaa: {  	s24 =	simm.s32 @!p0 $0x80;
	s23 =	sor.u32 @!p0 $0x18800, s20;
	s22 =	sadd.s32 @!p0 $0x8400, s22;
	[tilespmem:s20+$0x18870] =	vst @!p0 v2  }
0xab: {  	[tilespmem:s22], [sflag:$0x1] =	stream.indirect.gather @!p0 [hbm4b:s5+s24], $0x40, s23, s24, $0xb8;
	[tilespmem:$0x19000] =	vst v63  }
0xac: {  	s20 =	sor.u32 @!p0 $0x18400, s20  }
0xad: {  	[tilespmem:s20], [sflag:$0x2] =	stream.indirect.gather @!p0 [hbm4b:s1+s24], $0x1, s21, s24, $0xb8;
	[tilespmem:$0x19000] =	vst v63  }
0xae: {  	_ =	swait.ge [sflag:s0], $0x2000  }
0xaf: {  	[sflag:s0] =	ssyncset.done $0x0  }
0xb0: {  	[sflag:s0] =	ssyncadd.s32 $0xFFFFE000  }
0xb1: {  	s18 =	ssub.s32 s18, s19;
	s19 =	smul.u32 $0xC8, s17;
	_ =	swait.ge [sflag:s2], $0x80  }
0xb2: {  	p0 =	slt.s32 s18, $0x2;
	[sflag:s2] =	ssyncset.done $0x0  }
0xb3: {  	s25 =	sadd.s32 $0x20, s19;
	s18 =	simm.s32 @!p0 $0x1;
	[sflag:s2] =	ssyncadd.s32 $0xFFFFFF80  }
0xb4: {  	p1 =	slt.u32 s17, $0x4;
	v8 =	vadd.s32 s25, v0;
	s25 =	sadd.s32 $0x60, s19;
	_ =	swait.ge @!p0 [sflag:s18], $0x2000  }
0xb5: {  	v14 =	vadd.s32 s25, v0;
	s25 =	sadd.s32 $0xA0, s19;
	s24 =	sadd.s32 $0x10, s19;
	[sflag:s18] =	ssyncset.done @!p0 $0x0  }
0xb6: {  	v3 =	vadd.s32 s19, v0;
	v6 =	vand.u32 $0x3F8, v8;
	s20 =	simm.s32 @!p0 $0x2;
	[sflag:s18] =	ssyncadd.s32 @!p0 $0xFFFFE000;
	s18 =	sand.u32 $0x3, s17  }
0xb7: {  	v6 =	vor.u32 v1, v6;
	v2 =	vand.u32 $0x3F8, v3;
	s22 =	sadd.s32 $0x30, s19;
	v4 =	vadd.s32 s24, v0;
	_ =	swait.ge @!p0 [sflag:s20], $0x80;
	p2 =	sne.s32 @!p1 s18, $0x0  }
0xb8: {  	v23 =	vadd.s32 s25, v0;
	s23 =	sadd.s32 $0x40, s19;
	v2 =	vor.u32 v1, v2;
	v5 =	vand.u32 $0x3F8, v4;
	p1 =	por p2, p1;
	[sflag:s20] =	ssyncset.done @!p0 $0x0  }
0xb9: {  	v10 =	vadd.s32 s22, v0;
	v7 =	vadd.s32 s23, v0;
	s22 =	sadd.s32 $0x70, s19;
	v5 =	vor.u32 v1, v5;
	[sflag:s20] =	ssyncadd.s32 @!p0 $0xFFFFFF80;
	s20 =	simm.s32 @!p1 $0x3  }
0xba: {  	s23 =	sadd.s32 $0x80, s19;
	v11 =	vand.u32 $0x3F8, v10;
	v12 =	vand.u32 $0x3F8, v7;
	v13 =	vadd.s32 s22, v0;
	s24 =	sadd.s32 $0x50, s19;
	_ =	swait.ge @!p1 [sflag:s20], $0x400  }
0xbb: {  	v16 =	vadd.s32 s23, v0;
	v11 =	vor.u32 v1, v11;
	v9 =	vadd.s32 s24, v0;
	[sflag:s20] =	ssyncset.done @!p1 $0x0  }
0xbc: {  	s21 =	sadd.s32 $0xB0, s19;
	v7 =	vshll.u32 v7, $0x6;
	v12 =	vor.u32 v1, v12;
	v15 =	vand.u32 $0x3F8, v9;
	[sflag:s20] =	ssyncadd.s32 @!p1 $0xFFFFFC00  }
0xbd: {  	s22 =	simm.s32 $0x0;
	v17 =	vadd.s32 s21, v0;
	v20 =	vld.idx.msk [tilespmem:v2+s15+$0x0], $0xffff;
	v2 =	vor.u32 v1, v15;
	v15 =	vand.u32 $0x3F8, v14  }
0xbe: {  	v27 =	vadd.s32 s22, v0;
	v22 =	vld.idx.msk [tilespmem:v5+s15+$0x0], $0xffff;
	v5 =	vor.u32 v1, v15;
	v15 =	vand.u32 $0x3F8, v13  }
0xbf: {  	s24 =	sadd.s32 $0x90, s19;
	v21 =	vand.u32 $0x3F8, v17;
	v28 =	vld.idx.msk [tilespmem:v6+s15+$0x0], $0xffff;
	v6 =	vor.u32 v1, v15;
	v15 =	vand.u32 $0x3F8, v16  }
0xc0: {  	v27 =	vand.u32 $0x3F, v27;
	v18 =	vadd.s32 s24, v0;
	v29 =	vld.idx.msk [tilespmem:v11+s15+$0x0], $0xffff;
	v11 =	vor.u32 v1, v15  }
0xc1: {  	s19 =	sadd.s32 $0xC0, s19;
	v17 =	vshll.u32 v17, $0x6;
	v21 =	vor.u32 v1, v21;
	v24 =	vld.idx.msk [tilespmem:v12+s15+$0x0], $0xffff;
	v15 =	vand.u32 $0x3F8, v18  }
0xc2: {  	s23 =	sshll.u32 s17, $0x6;
	v19 =	vadd.s32 s19, v0;
	v12 =	vor.u32 v1, v15;
	v15 =	vand.u32 $0x3F8, v23;
	v25 =	vld.idx.msk [tilespmem:v2+s15+$0x0], $0xffff  }
0xc3: {  	v26 =	vand.u32 $0x3F8, v19;
	v15 =	vor.u32 v1, v15;
	v2 =	vld.idx.msk [tilespmem:v5+s15+$0x0], $0xffff;
	v5 =	vmov s23  }
0xc4: {  	v26 =	vor.u32 v1, v26;
	v37 =	vld.idx.msk [tilespmem:v6+s15+$0x0], $0xffff;
	v6 =	vshll.u32 v3, $0x6;
	v30 =	vor.u32 v5, v27  }
0xc5: {  	v3 =	vld.idx.msk [tilespmem:v11+s15+$0x0], $0xffff;
	v6 =	vand.u32 $0xFFC0, v6;
	v11 =	vshll.u32 v13, $0x6;
	v13 =	vshll.u32 v19, $0x6  }
0xc6: {  	v39 =	vld.idx.msk [tilespmem:v21+s15+$0x0], $0xffff;
	v19 =	vshll.u32 v9, $0x6;
	v9 =	vand.u32 $0xFFC0, v17;
	v31 =	vor.u32 v6, v27  }
0xc7: {  	v7 =	vand.u32 $0xFFC0, v7;
	v46 =	vld.idx.msk [tilespmem:v12+s15+$0x0], $0xffff;
	v32 =	vor.u32 v9, v27  }
0xc8: {  	v11 =	vand.u32 $0xFFC0, v11;
	v12 =	vshll.u32 v16, $0x6;
	v43 =	vld.idx.msk [tilespmem:v15+s15+$0x0], $0xffff;
	v15 =	vor.u32 v7, v27  }
0xc9: {  	v26 =	vld.idx.msk [tilespmem:v26+s15+$0x0], $0xffff;
	v12 =	vand.u32 $0xFFC0, v12;
	v16 =	vor.u32 v11, v27  }
0xca: {  	v17 =	vshll.u32 v8, $0x6;
	v8 =	vand.u32 $0xFFC0, v19;
	v21 =	vor.u32 v12, v27;
	v44 =	vld.idx.msk [tilespmem:v30+s11+$0x0], $0xffff  }
0xcb: {  	v4 =	vshll.u32 v4, $0x6;
	v17 =	vand.u32 $0xFFC0, v17;
	v33 =	vor.u32 v8, v27;
	v31 =	vld.idx.msk [tilespmem:v31+s14+$0x0], $0xffff  }
0xcc: {  	v19 =	vand.u32 $0xFFC0, v4;
	v4 =	vshll.u32 v14, $0x6;
	v34 =	vor.u32 v17, v27;
	v38 =	vld.idx.msk [tilespmem:v32+s14+$0x0], $0xffff  }
0xcd: {  	v13 =	vand.u32 $0xFFC0, v13;
	v14 =	vand.u32 $0xFFC0, v4;
	v4 =	vor.u32 v19, v27;
	v15 =	vld.idx.msk [tilespmem:v15+s14+$0x0], $0xffff  }
0xce: {  	v10 =	vshll.u32 v10, $0x6;
	v30 =	vor.u32 v13, v27;
	v40 =	vld.idx.msk [tilespmem:v16+s14+$0x0], $0xffff  }
0xcf: {  	v35 =	vor.u32 v14, v27;
	v41 =	vld.idx.msk [tilespmem:v21+s14+$0x0], $0xffff;
	v21 =	vand.u32 $0xFFC0, v10;
	v10 =	vshll.u32 v23, $0x6  }
0xd0: {  	s24 =	simm.s32 $0x1;
	v16 =	vshll.u32 v18, $0x6;
	v45 =	vld.idx.msk [tilespmem:v33+s14+$0x0], $0xffff;
	v18 =	vand.u32 $0xFFC0, v10;
	v10 =	vor.u32 v21, v27  }
0xd1: {  	v48 =	vld.idx.msk [tilespmem:v34+s14+$0x0], $0xffff;
	v16 =	vand.u32 $0xFFC0, v16;
	v23 =	vadd.s32 s24, v0;
	v42 =	vor.u32 v18, v27  }
0xd2: {  	v51 =	vld.idx.msk [tilespmem:v4+s14+$0x0], $0xffff;
	v47 =	vand.u32 $0x3F, v23;
	v27 =	vor.u32 v16, v27;
	v31 =	vmul.f32 v31, v44  }
0xd3: {  	v30 =	vld.idx.msk [tilespmem:v30+s14+$0x0], $0xffff;
	v50 =	vor.u32 v6, v47;
	v33 =	vor.u32 v19, v47;
	v36 =	vor.u32 v17, v47  }
0xd4: {  	v32 =	vor.u32 v21, v47;
	v56 =	vor.u32 v9, v47;
	v23 =	vadd.f32 v31, v20;
	v20 =	vld.idx.msk [tilespmem:v35+s14+$0x0], $0xffff  }
0xd5: {  	v53 =	vor.u32 v12, v47;
	v49 =	vmul.f32 v15, v44;
	v15 =	vor.u32 v5, v47;
	v52 =	vld.idx.msk [tilespmem:v10+s14+$0x0], $0xffff  }
0xd6: {  	v34 =	vor.u32 v18, v47;
	v55 =	vor.u32 v8, v47;
	v31 =	vor.u32 v7, v47;
	v42 =	vld.idx.msk [tilespmem:v42+s14+$0x0], $0xffff  }
0xd7: {  	v57 =	vor.u32 v13, v47;
	v61 =	vmul.f32 v48, v44;
	v10 =	vmul.f32 v38, v44;
	v54 =	vld.idx.msk [tilespmem:v27+s14+$0x0], $0xffff  }
0xd8: {  	v40 =	vmul.f32 v40, v44;
	v4 =	vmul.f32 v30, v44;
	v30 =	vor.u32 v11, v47;
	v50 =	vld.idx.msk [tilespmem:v50+s14+$0x0], $0xffff  }
0xd9: {  	v27 =	vmul.f32 v45, v44;
	v10 =	vadd.f32 v10, v39;
	v39 =	vmul.f32 v41, v44;
	v41 =	vld.idx.msk [tilespmem:v56+s14+$0x0], $0xffff  }
0xda: {  	v24 =	vadd.f32 v49, v24;
	v4 =	vadd.f32 v4, v26;
	v26 =	vmul.f32 v51, v44;
	v15 =	vld.idx.msk [tilespmem:v15+s11+$0x0], $0xffff  }
0xdb: {  	v35 =	vor.u32 v14, v47;
	v28 =	vadd.f32 v61, v28;
	v27 =	vadd.f32 v27, v25;
	v38 =	vld.idx.msk [tilespmem:v31+s14+$0x0], $0xffff  }
0xdc: {  	s25 =	simm.s32 $0x2;
	v25 =	vadd.f32 v26, v22;
	v26 =	vadd.f32 v40, v37;
	v40 =	vld.idx.msk [tilespmem:v57+s14+$0x0], $0xffff;
	v62 =	vmul.f32 v52, v44  }
0xdd: {  	v45 =	vadd.s32 s25, v0;
	v37 =	vld.idx.msk [tilespmem:v55+s14+$0x0], $0xffff;
	v22 =	vmul.f32 v42, v44;
	v63 =	vmul.f32 v54, v44  }
0xde: {  	v31 =	vld.idx.msk [tilespmem:v30+s14+$0x0], $0xffff;
	v42 =	vor.u32 v16, v47;
	v44 =	vmul.f32 v20, v44;
	v29 =	vadd.f32 v62, v29  }
0xdf: {  	s19 =	simm.s32 $0x3;
	v30 =	vld.idx.msk [tilespmem:v53+s14+$0x0], $0xffff;
	v20 =	vadd.f32 v22, v43;
	v43 =	vmul.f32 v50, v15;
	v22 =	vadd.f32 v63, v46  }
.LBB2_3:
0xe0: {  	p0 =	sne.s32 s19, $0x3F;
	v45 =	vand.u32 $0x3F, v45;
	v46 =	vld.idx.msk [tilespmem:v36+s14+$0x0], $0xffff;
	v38 =	vmul.f32 v38, v15;
	v2 =	vadd.f32 v44, v2;
	s20 =	smov.u32 s19;
	s19 =	sadd.s32 $0x1, s19  }
0xe1: {  	v3 =	vadd.f32 v39, v3;
	v44 =	vor.u32 v5, v45;
	v47 =	vor.u32 v6, v45;
	v48 =	vld.idx.msk [tilespmem:v33+s14+$0x0], $0xffff  }
0xe2: {  	v33 =	vor.u32 v19, v45;
	v36 =	vor.u32 v17, v45;
	v23 =	vadd.f32 v43, v23;
	v43 =	vld.idx.msk [tilespmem:v35+s14+$0x0], $0xffff  }
0xe3: {  	v39 =	vor.u32 v7, v45;
	v40 =	vmul.f32 v40, v15;
	v49 =	vld.idx.msk [tilespmem:v32+s14+$0x0], $0xffff;
	v32 =	vor.u32 v21, v45  }
0xe4: {  	v50 =	vor.u32 v11, v45;
	v35 =	vor.u32 v14, v45;
	v41 =	vmul.f32 v41, v15;
	v51 =	vld.idx.msk [tilespmem:v34+s14+$0x0], $0xffff  }
0xe5: {  	v52 =	vor.u32 v12, v45;
	v34 =	vor.u32 v18, v45;
	v4 =	vadd.f32 v40, v4;
	v53 =	vld.idx.msk [tilespmem:v42+s14+$0x0], $0xffff  }
0xe6: {  	v55 =	vor.u32 v8, v45;
	v40 =	vor.u32 v13, v45;
	v54 =	vld.idx.msk [tilespmem:v44+s11+$0x0], $0xffff;
	v44 =	vor.u32 v9, v45  }
0xe7: {  	v24 =	vadd.f32 v38, v24;
	v37 =	vmul.f32 v37, v15;
	v42 =	vmul.f32 v48, v15;
	v47 =	vld.idx.msk [tilespmem:v47+s14+$0x0], $0xffff  }
0xe8: {  	v46 =	vmul.f32 v46, v15;
	v10 =	vadd.f32 v41, v10;
	v48 =	vmul.f32 v31, v15;
	v38 =	vld.idx.msk [tilespmem:v39+s14+$0x0], $0xffff  }
.Ltmp0:
0xe9: {  	v27 =	vadd.f32 v37, v27;
	v49 =	vmul.f32 v49, v15;
	v39 =	vmul.f32 v30, v15;
	v31 =	vld.idx.msk [tilespmem:v50+s14+$0x0], $0xffff;
	(pc) =	sbr.rel @p0 .LBB2_3-.Ltmp0, $4  }
0xea: {  	v25 =	vadd.f32 v42, v25;
	v26 =	vadd.f32 v48, v26;
	v37 =	vmul.f32 v51, v15;
	v30 =	vld.idx.msk [tilespmem:v52+s14+$0x0], $0xffff  }
0xeb: {  	v28 =	vadd.f32 v46, v28;
	v42 =	vor.u32 v16, v45;
	v46 =	vmul.f32 v53, v15;
	v40 =	vld.idx.msk [tilespmem:v40+s14+$0x0], $0xffff  }
0xec: {  	v29 =	vadd.f32 v49, v29;
	v20 =	vadd.f32 v37, v20;
	v41 =	vld.idx.msk [tilespmem:v44+s14+$0x0], $0xffff;
	v44 =	vmul.f32 v43, v15  }
0xed: {  	v45 =	vadd.s32 s20, v0;
	v43 =	vmul.f32 v47, v54;
	v22 =	vadd.f32 v46, v22;
	v15 =	vmovc v54;
	v37 =	vld.idx.msk [tilespmem:v55+s14+$0x0], $0xffff  }
0xee: {  	_ =	sdelay $0x3  }
0xef: {  	v45 =	vand.u32 $0x3F, v45;
	v36 =	vld.idx.msk [tilespmem:v36+s14+$0x0], $0xffff  }
0xf0: {  	v33 =	vld.idx.msk [tilespmem:v33+s14+$0x0], $0xffff;
	v5 =	vor.u32 v5, v45  }
0xf1: {  	v35 =	vld.idx.msk [tilespmem:v35+s14+$0x0], $0xffff;
	v6 =	vor.u32 v6, v45  }
0xf2: {  	v32 =	vld.idx.msk [tilespmem:v32+s14+$0x0], $0xffff;
	v7 =	vor.u32 v7, v45  }
0xf3: {  	v34 =	vld.idx.msk [tilespmem:v34+s14+$0x0], $0xffff;
	v11 =	vor.u32 v11, v45  }
0xf4: {  	v42 =	vld.idx.msk [tilespmem:v42+s14+$0x0], $0xffff;
	v12 =	vor.u32 v12, v45  }
0xf5: {  	v19 =	vor.u32 v19, v45;
	v5 =	vld.idx.msk [tilespmem:v5+s11+$0x0], $0xffff  }
0xf6: {  	v38 =	vmul.f32 v38, v15;
	v17 =	vor.u32 v17, v45;
	v6 =	vld.idx.msk [tilespmem:v6+s14+$0x0], $0xffff  }
0xf7: {  	v2 =	vadd.f32 v44, v2;
	v3 =	vadd.f32 v39, v3;
	v21 =	vor.u32 v21, v45;
	v7 =	vld.idx.msk [tilespmem:v7+s14+$0x0], $0xffff  }
0xf8: {  	v31 =	vmul.f32 v31, v15;
	v13 =	vor.u32 v13, v45;
	v9 =	vor.u32 v9, v45;
	v11 =	vld.idx.msk [tilespmem:v11+s14+$0x0], $0xffff  }
0xf9: {  	v8 =	vor.u32 v8, v45;
	v23 =	vadd.f32 v43, v23;
	v14 =	vor.u32 v14, v45;
	v12 =	vld.idx.msk [tilespmem:v12+s14+$0x0], $0xffff  }
0xfa: {  	v18 =	vor.u32 v18, v45;
	v16 =	vor.u32 v16, v45;
	v30 =	vmul.f32 v30, v15;
	v19 =	vld.idx.msk [tilespmem:v19+s14+$0x0], $0xffff  }
0xfb: {  	v55 =	vmul.f32 v40, v15;
	v24 =	vadd.f32 v38, v24;
	v56 =	vmul.f32 v41, v15;
	v17 =	vld.idx.msk [tilespmem:v17+s14+$0x0], $0xffff  }
0xfc: {  	v26 =	vadd.f32 v31, v26;
	v37 =	vmul.f32 v37, v15;
	v33 =	vmul.f32 v33, v15;
	v21 =	vld.idx.msk [tilespmem:v21+s14+$0x0], $0xffff  }
0xfd: {  	v3 =	vadd.f32 v30, v3;
	v36 =	vmul.f32 v36, v15;
	v32 =	vmul.f32 v32, v15;
	v13 =	vld.idx.msk [tilespmem:v13+s14+$0x0], $0xffff  }
0xfe: {  	v4 =	vadd.f32 v55, v4;
	v58 =	vmul.f32 v35, v15;
	v8 =	vld.idx.msk [tilespmem:v8+s14+$0x0], $0xffff;
	v6 =	vmul.f32 v6, v5  }
0xff: {  	v60 =	vmul.f32 v42, v15;
	v14 =	vld.idx.msk [tilespmem:v14+s14+$0x0], $0xffff;
	v25 =	vadd.f32 v33, v25;
	v19 =	vmul.f32 v19, v5  }
0x100: {  	v9 =	vld.idx.msk [tilespmem:v9+s14+$0x0], $0xffff;
	v28 =	vadd.f32 v36, v28;
	v17 =	vmul.f32 v17, v5;
	v6 =	vadd.f32 v6, v23  }
0x101: {  	s19 =	sshll.u32 s18, $0x8;
	v18 =	vld.idx.msk [tilespmem:v18+s14+$0x0], $0xffff;
	v57 =	vadd.f32 v32, v29;
	v21 =	vmul.f32 v21, v5;
	v19 =	vadd.f32 v19, v25  }
0x102: {  	v16 =	vld.idx.msk [tilespmem:v16+s14+$0x0], $0xffff;
	v7 =	vmul.f32 v7, v5;
	v17 =	vadd.f32 v17, v28;
	[tilespmem:s19+$0x18C00] =	vst v6  }
0x103: {  	v27 =	vadd.f32 v37, v27;
	v8 =	vmul.f32 v8, v5;
	v21 =	vadd.f32 v21, v57;
	[tilespmem:s19+$0x18C10] =	vst v19  }
0x104: {  	v2 =	vadd.f32 v58, v2;
	v14 =	vmul.f32 v14, v5;
	v7 =	vadd.f32 v7, v24;
	[tilespmem:s19+$0x18C20] =	vst v17  }
0x105: {  	v59 =	vmul.f32 v34, v15;
	v11 =	vmul.f32 v11, v5;
	v8 =	vadd.f32 v8, v27;
	[tilespmem:s19+$0x18C30] =	vst v21  }
0x106: {  	v61 =	vadd.f32 v60, v22;
	v12 =	vmul.f32 v12, v5;
	v2 =	vadd.f32 v14, v2;
	[tilespmem:s19+$0x18C40] =	vst v7  }
0x107: {  	v62 =	vmul.f32 v16, v5;
	v63 =	vmul.f32 v18, v5;
	v11 =	vadd.f32 v11, v26;
	[tilespmem:s19+$0x18C50] =	vst v8  }
0x108: {  	v9 =	vmul.f32 v9, v5;
	v5 =	vmul.f32 v13, v5;
	v3 =	vadd.f32 v12, v3;
	[tilespmem:s19+$0x18C60] =	vst v2  }
0x109: {  	v6 =	vadd.f32 v59, v20;
	v7 =	vadd.f32 v62, v61;
	[tilespmem:s19+$0x18C70] =	vst v11  }
0x10a: {  	p0 =	sne.s32 s18, $0x3;
	v2 =	vadd.f32 v56, v10;
	[tilespmem:s19+$0x18C80] =	vst v3;
	v3 =	vadd.f32 v5, v4  }
0x10b: {  	s18 =	sshll.u32 @!p0 s17, $0x8;
	v6 =	vadd.f32 v63, v6;
	[tilespmem:s19+$0x18C90] =	vst v7  }
0x10c: {  	s18 =	sadd.s32 @!p0 s18, s8;
	v2 =	vadd.f32 v9, v2;
	[tilespmem:s19+$0x18CC0] =	vst v3  }
0x10d: {  	s20 =	simm.s32 @!p0 $0x18C00;
	s18 =	sshrl.u32 @!p0 s18, $0x3;
	[tilespmem:s19+$0x18CA0] =	vst v6  }
0x10e: {  	s17 =	sadd.s32 $0x1, s17;
	s18 =	sadd.s32 @!p0 s3, s18;
	[tilespmem:s19+$0x18CB0] =	vst v2;
	s19 =	simm.s32 @!p0 $0x0  }
0x10f: {  	[hbm4b:s18+s19] =	stream.linear.scatter @!p0 [tilespmem:s20], [sflag:$0x3], $0x400, $0x38;
	[tilespmem:$0x19000] =	vst v63  }
0x110: {  	p0 =	sne.s32 s17, $0x80  }
.Ltmp1:
0x111: {  	_ = 	snop;
	(pc) =	sbr.rel @p0 .LBB2_2-.Ltmp1, $1  }
0x112: {  	_ =	sdelay $0x3  }
0x113: {  	s16 =	sadd.s32 $0x1, s16  }
0x114: {  	p0 =	sne.s32 s16, s9  }
.Ltmp2:
0x115: {  	_ = 	snop;
	(pc) =	sbr.rel @p0 .LBB2_1-.Ltmp2, $4  }
0x116: {  	_ = 	snop  }
0x117: {  	_ =	swait.ge [sflag:s13], $0x400  }
0x118: {  	[sflag:s13] =	ssyncset.done $0x0  }
0x119: {  	[sflag:s13] =	ssyncadd.s32 $0xFFFFFC00  }
0x11a: {  	_ =	sfence.sel $0x180000  }
0x11b: {  	[bflag:$0x0] =	sbarrier.arrive $0xFFFF  }
0x11c: {  	_ =	strace $0x90000047  }
0x11d: {  	s0 =	stileid.u32;
	[bflag:$0x2] =	sbarrier.arrive $0xFFFF  }
0x11e: {  	p0 =	sne.s32 s0, $0x0;
	s0 =	rddreg [dreg:$0x4]  }
0x11f: {  	s0 =	sadd.s32 @!p0 $0x100000, s0  }
0x120: {  	[sflag:s0] =	ssyncadd.tile.s32 @!p0 $0x1;
	_ =	shalt  }
.Lfunc_end2:
_tile_overlayer_lowered:
.L_overlay_start_2:
0x121: {  	(tag) =	ssettag $0x2  }
0x122: {  	s0 =	rddreg [dreg:$0x0];
	s2 =	stileid.u32  }
0x123: {  	s1 =	rddreg [dreg:$0x1];
	p0 =	sne.s32 s2, $0x0  }
0x124: {  	s3 =	rddreg [dreg:$0x2];
	[bflag:$0x3] =	sbarrier.arrive $0xFFFF;
	s2 =	simm.s32 @!p0 $0x1C04  }
0x125: {  	[timem:s3], [sflag:s2] =	dma.local @!p0 [hbm:s0], s1  }
0x126: {  	s0 =	simm.s32 @!p0 $0x4  }
0x127: {  	_ =	swait.ge @!p0 [sflag:s0], s1  }
0x128: {  	s1 =	ssub.s32 @!p0 $0x0, s1;
	[sflag:s0] =	ssyncset.done @!p0 $0x0  }
0x129: {  	[sflag:s0] =	ssyncadd.s32 @!p0 s1  }
0x12a: {  	[bflag:$0x3] =	sbarrier.arrive $0xFFFF  }
0x12b: {  	_ =	shalt  }

</sc_bundles>
